<compile_context>
chip_gen: v7x
topology: tpu7x:2x2x1
jax: 0.10.2.dev20260603
libtpu: 0.0.44.dev20260713+nightly
codegen_flags: <defaults>
</compile_context>

<pallas_src>
import functools

import jax
import jax.numpy as jnp
from jax import lax
from jax.experimental import pallas as pl
from jax.experimental.pallas import tpu as pltpu
from jax.experimental.pallas import tpu_sc as plsc

VOCAB = 100000
DIM = 128
BATCH = 4096
SEQ = 50

NC = 2
NS = 16
NW = NC * NS
NB_W = BATCH // NW
M = 3
NBUF = 2 * M

_mesh = plsc.VectorSubcoreMesh(core_axis_name="c", subcore_axis_name="s")


@functools.partial(
    pl.kernel,
    mesh=_mesh,
    out_type=jax.ShapeDtypeStruct((SEQ, BATCH, DIM), jnp.float32),
    scratch_types=[
        pltpu.VMEM((SEQ, NB_W), jnp.int32),
        pltpu.VMEM((NBUF, NB_W, DIM), jnp.float32),
        pltpu.SemaphoreType.DMA,
        pltpu.SemaphoreType.DMA,
    ],
)
def _embed(ids_hbm, table_hbm, out_hbm, idx_v, bufs, gsem, ssem):
    wid = lax.axis_index("s") * NC + lax.axis_index("c")
    bbase = wid * NB_W
    pltpu.sync_copy(ids_hbm.at[pl.ds(0, SEQ), wid], idx_v)

    def gather(g, b):
        pltpu.async_copy(table_hbm.at[idx_v.at[g]], bufs.at[b], gsem)

    def scatter(g, b):
        pltpu.async_copy(bufs.at[b], out_hbm.at[g, pl.ds(bbase, NB_W)], ssem)

    def wait_gather(b):
        pltpu.make_async_copy(table_hbm.at[idx_v.at[0]], bufs.at[b], gsem).wait()

    def wait_scatter():
        pltpu.make_async_copy(bufs.at[0], out_hbm.at[0, pl.ds(bbase, NB_W)], ssem).wait()

    for b in range(M):
        gather(b, b)
    for g in range(M):
        wait_gather(g)
        scatter(g, g)
        gather(g + M, (g + M) % NBUF)
    def body(g, carry):
        b = lax.rem(g, NBUF)
        wait_gather(b)
        scatter(g, b)
        wait_scatter()
        gather(g + M, lax.rem(g + M, NBUF))
        return carry

    lax.fori_loop(M, SEQ - M, body, 0)
    for g in range(SEQ - M, SEQ):
        wait_gather(g % NBUF)
        scatter(g, g % NBUF)
    for _ in range(NBUF):
        wait_scatter()


def kernel(token_ids, table):
    ids_t = token_ids.astype(jnp.int32).T.reshape(SEQ, NW, NB_W)
    out = _embed(ids_t, table)
    return jnp.transpose(out, (1, 0, 2))

# --- scband reference (transcript-rebuilt; emitter-appended) ---
"""Pipeline reference for scband-static-embedding-23965917512371 (READ-ONLY COPY).

The authoritative reference and input builder live on the scoring server;
editing this copy changes nothing except your own understanding.
"""

import jax, jax.numpy as jnp
import numpy as np

VOCAB = 100000
DIM = 128

def setup_inputs(seed: int = 0) -> dict:
    key = jax.random.key(seed)
    k1, k2 = jax.random.split(key)
    token_ids = jax.random.randint(k1, (4096, 50), 0, VOCAB, dtype=jnp.int64 if jax.config.jax_enable_x64 else jnp.int32)
    table = jax.random.normal(k2, (VOCAB, DIM), dtype=jnp.float32)
    return {"token_ids": token_ids, "table": table}

def reference(token_ids, table):
    # nn.Embedding lookup: gather rows of the embedding table
    rep = jnp.take(table, token_ids, axis=0)
    # nn.Dropout in eval mode is identity (inference semantics)
    return rep

if __name__ == "__main__":
    import jax
    _d = setup_inputs()
    print(jax.jit(kernel)(*tuple(_d.values())))

</pallas_src>

<mosaic_0001>
#map = affine_map<(d0, d1) -> (0, 0, 0)>
#map1 = affine_map<(d0, d1) -> (0, 0)>
module attributes {stable_mosaic.version = 14 : i64} {
  func.func @_embed(%arg0: i32, %arg1: i32, %arg2: memref<50x32x128xi32, #tpu.memory_space<hbm>>, %arg3: memref<100000x128xf32, #tpu.memory_space<hbm>>, %arg4: memref<50x4096x128xf32, #tpu.memory_space<hbm>>, %arg5: memref<50x128xi32, #tpu.memory_space<vmem>>, %arg6: memref<6x128x128xf32, #tpu.memory_space<vmem>>, %arg7: memref<!tpu.dma_semaphore, #tpu.memory_space<semaphore_mem>>, %arg8: memref<!tpu.dma_semaphore, #tpu.memory_space<semaphore_mem>>) attributes {dimension_semantics = [#tpu.dimension_semantics<core_parallel>, #tpu.dimension_semantics<subcore_parallel>], iteration_bounds = array<i64: 2, 16>, scalar_prefetch = 0 : i64, scratch_operands = 4 : i64, tpu.core_type = #tpu.core_type<sc_vector_subcore>, window_params = [{transform_indices = #map}, {transform_indices = #map1}, {transform_indices = #map}]} {
    %mul3A = arith.constant 2 : i32
    %mul3A_0 = arith.muli %arg1, %mul3A : i32
    %add3A = arith.addi %mul3A_0, %arg0 : i32
    %mul3A_1 = arith.constant 128 : i32
    %mul3A_2 = arith.muli %add3A, %mul3A_1 : i32
    "tpu.region"() ({
      %run_scoped3A = tpu.sem_alloc : memref<!tpu.dma_semaphore, #tpu.memory_space<semaphore_mem>>
      %dma_start3A_342 = arith.constant 0 : i32
      %dma_start3A_343 = arith.constant 0 : i32
      %dma_start3A_344 = tpu.memref_slice %arg2[%dma_start3A_342, %add3A, %dma_start3A_343] : memref<50x32x128xi32, #tpu.memory_space<hbm>> -> memref<50x1x128xi32, #tpu.memory_space<hbm>>
      %dma_start3A_345 = tpu.memref_squeeze %dma_start3A_344 : memref<50x1x128xi32, #tpu.memory_space<hbm>> -> memref<50x128xi32, #tpu.memory_space<hbm>>
      %dma_start3A_346 = arith.constant 0 : i32
      %dma_start3A_347 = arith.constant 0 : i32
      %dma_start3A_348 = tpu.memref_slice %arg2[%dma_start3A_346, %add3A, %dma_start3A_347] : memref<50x32x128xi32, #tpu.memory_space<hbm>> -> memref<50x1x128xi32, #tpu.memory_space<hbm>>
      %dma_start3A_349 = tpu.memref_squeeze %dma_start3A_348 : memref<50x1x128xi32, #tpu.memory_space<hbm>> -> memref<50x128xi32, #tpu.memory_space<hbm>>
      tpu.enqueue_dma source(%dma_start3A_349 : memref<50x128xi32, #tpu.memory_space<hbm>>) target(%arg5 : memref<50x128xi32, #tpu.memory_space<vmem>>) target_semaphore(%run_scoped3A : memref<!tpu.dma_semaphore, #tpu.memory_space<semaphore_mem>>)
      %dma_wait3A_350 = arith.constant 0 : i32
      %dma_wait3A_351 = arith.constant 0 : i32
      %dma_wait3A_352 = tpu.memref_slice %arg2[%dma_wait3A_350, %add3A, %dma_wait3A_351] : memref<50x32x128xi32, #tpu.memory_space<hbm>> -> memref<50x1x128xi32, #tpu.memory_space<hbm>>
      %dma_wait3A_353 = tpu.memref_squeeze %dma_wait3A_352 : memref<50x1x128xi32, #tpu.memory_space<hbm>> -> memref<50x128xi32, #tpu.memory_space<hbm>>
      %dma_wait3A_354 = arith.constant 0 : i32
      %dma_wait3A_355 = arith.constant 0 : i32
      %dma_wait3A_356 = tpu.memref_slice %arg2[%dma_wait3A_354, %add3A, %dma_wait3A_355] : memref<50x32x128xi32, #tpu.memory_space<hbm>> -> memref<50x1x128xi32, #tpu.memory_space<hbm>>
      %dma_wait3A_357 = tpu.memref_squeeze %dma_wait3A_356 : memref<50x1x128xi32, #tpu.memory_space<hbm>> -> memref<50x128xi32, #tpu.memory_space<hbm>>
      tpu.wait_dma2 semaphore(%run_scoped3A : memref<!tpu.dma_semaphore, #tpu.memory_space<semaphore_mem>>) src(%dma_wait3A_357 : memref<50x128xi32, #tpu.memory_space<hbm>>) dst(%arg5 : memref<50x128xi32, #tpu.memory_space<vmem>>)
      tpu.yield
    }) : () -> ()
    %dma_start3A = arith.constant 0 : i32
    %dma_start3A_3 = arith.constant 0 : i32
    %dma_start3A_4 = arith.constant 0 : i32
    %dma_start3A_5 = arith.constant 0 : i32
    %dma_start3A_6 = tpu.memref_slice %arg6[%dma_start3A_3, %dma_start3A_4, %dma_start3A_5] : memref<6x128x128xf32, #tpu.memory_space<vmem>> -> memref<1x128x128xf32, #tpu.memory_space<vmem>>
    %dma_start3A_7 = tpu.memref_squeeze %dma_start3A_6 : memref<1x128x128xf32, #tpu.memory_space<vmem>> -> memref<128x128xf32, #tpu.memory_space<vmem>>
    %dma_start3A_8 = arith.constant 0 : i32
    %dma_start3A_9 = tpu.memref_slice %arg5[%dma_start3A, %dma_start3A_8] : memref<50x128xi32, #tpu.memory_space<vmem>> -> memref<1x128xi32, #tpu.memory_space<vmem>>
    %dma_start3A_10 = tpu.memref_squeeze %dma_start3A_9 : memref<1x128xi32, #tpu.memory_space<vmem>> -> memref<128xi32, #tpu.memory_space<vmem>>
    %dma_start3A_11 = arith.constant 0 : i32
    %dma_start3A_12 = arith.constant 0 : i32
    %dma_start3A_13 = tpu.memref_slice %arg3[%dma_start3A_11, %dma_start3A_12] : memref<100000x128xf32, #tpu.memory_space<hbm>> -> memref<100000x128xf32, #tpu.memory_space<hbm>>
    tpu.enqueue_indirect_dma source(%dma_start3A_13 : memref<100000x128xf32, #tpu.memory_space<hbm>>) target(%dma_start3A_7 : memref<128x128xf32, #tpu.memory_space<vmem>>) offsets(%dma_start3A_10 : memref<128xi32, #tpu.memory_space<vmem>>) semaphore(%arg7 : memref<!tpu.dma_semaphore, #tpu.memory_space<semaphore_mem>>)
    %dma_start3A_14 = arith.constant 1 : i32
    %dma_start3A_15 = arith.constant 1 : i32
    %dma_start3A_16 = arith.constant 0 : i32
    %dma_start3A_17 = arith.constant 0 : i32
    %dma_start3A_18 = tpu.memref_slice %arg6[%dma_start3A_15, %dma_start3A_16, %dma_start3A_17] : memref<6x128x128xf32, #tpu.memory_space<vmem>> -> memref<1x128x128xf32, #tpu.memory_space<vmem>>
    %dma_start3A_19 = tpu.memref_squeeze %dma_start3A_18 : memref<1x128x128xf32, #tpu.memory_space<vmem>> -> memref<128x128xf32, #tpu.memory_space<vmem>>
    %dma_start3A_20 = arith.constant 0 : i32
    %dma_start3A_21 = tpu.memref_slice %arg5[%dma_start3A_14, %dma_start3A_20] : memref<50x128xi32, #tpu.memory_space<vmem>> -> memref<1x128xi32, #tpu.memory_space<vmem>>
    %dma_start3A_22 = tpu.memref_squeeze %dma_start3A_21 : memref<1x128xi32, #tpu.memory_space<vmem>> -> memref<128xi32, #tpu.memory_space<vmem>>
    %dma_start3A_23 = arith.constant 0 : i32
    %dma_start3A_24 = arith.constant 0 : i32
    %dma_start3A_25 = tpu.memref_slice %arg3[%dma_start3A_23, %dma_start3A_24] : memref<100000x128xf32, #tpu.memory_space<hbm>> -> memref<100000x128xf32, #tpu.memory_space<hbm>>
    tpu.enqueue_indirect_dma source(%dma_start3A_25 : memref<100000x128xf32, #tpu.memory_space<hbm>>) target(%dma_start3A_19 : memref<128x128xf32, #tpu.memory_space<vmem>>) offsets(%dma_start3A_22 : memref<128xi32, #tpu.memory_space<vmem>>) semaphore(%arg7 : memref<!tpu.dma_semaphore, #tpu.memory_space<semaphore_mem>>)
    %dma_start3A_26 = arith.constant 2 : i32
    %dma_start3A_27 = arith.constant 2 : i32
    %dma_start3A_28 = arith.constant 0 : i32
    %dma_start3A_29 = arith.constant 0 : i32
    %dma_start3A_30 = tpu.memref_slice %arg6[%dma_start3A_27, %dma_start3A_28, %dma_start3A_29] : memref<6x128x128xf32, #tpu.memory_space<vmem>> -> memref<1x128x128xf32, #tpu.memory_space<vmem>>
    %dma_start3A_31 = tpu.memref_squeeze %dma_start3A_30 : memref<1x128x128xf32, #tpu.memory_space<vmem>> -> memref<128x128xf32, #tpu.memory_space<vmem>>
    %dma_start3A_32 = arith.constant 0 : i32
    %dma_start3A_33 = tpu.memref_slice %arg5[%dma_start3A_26, %dma_start3A_32] : memref<50x128xi32, #tpu.memory_space<vmem>> -> memref<1x128xi32, #tpu.memory_space<vmem>>
    %dma_start3A_34 = tpu.memref_squeeze %dma_start3A_33 : memref<1x128xi32, #tpu.memory_space<vmem>> -> memref<128xi32, #tpu.memory_space<vmem>>
    %dma_start3A_35 = arith.constant 0 : i32
    %dma_start3A_36 = arith.constant 0 : i32
    %dma_start3A_37 = tpu.memref_slice %arg3[%dma_start3A_35, %dma_start3A_36] : memref<100000x128xf32, #tpu.memory_space<hbm>> -> memref<100000x128xf32, #tpu.memory_space<hbm>>
    tpu.enqueue_indirect_dma source(%dma_start3A_37 : memref<100000x128xf32, #tpu.memory_space<hbm>>) target(%dma_start3A_31 : memref<128x128xf32, #tpu.memory_space<vmem>>) offsets(%dma_start3A_34 : memref<128xi32, #tpu.memory_space<vmem>>) semaphore(%arg7 : memref<!tpu.dma_semaphore, #tpu.memory_space<semaphore_mem>>)
    %dma_wait3A = arith.constant 0 : i32
    %dma_wait3A_38 = arith.constant 0 : i32
    %dma_wait3A_39 = arith.constant 0 : i32
    %dma_wait3A_40 = arith.constant 0 : i32
    %dma_wait3A_41 = tpu.memref_slice %arg6[%dma_wait3A_38, %dma_wait3A_39, %dma_wait3A_40] : memref<6x128x128xf32, #tpu.memory_space<vmem>> -> memref<1x128x128xf32, #tpu.memory_space<vmem>>
    %dma_wait3A_42 = tpu.memref_squeeze %dma_wait3A_41 : memref<1x128x128xf32, #tpu.memory_space<vmem>> -> memref<128x128xf32, #tpu.memory_space<vmem>>
    %dma_wait3A_43 = arith.constant 0 : i32
    %dma_wait3A_44 = tpu.memref_slice %arg5[%dma_wait3A, %dma_wait3A_43] : memref<50x128xi32, #tpu.memory_space<vmem>> -> memref<1x128xi32, #tpu.memory_space<vmem>>
    %dma_wait3A_45 = tpu.memref_squeeze %dma_wait3A_44 : memref<1x128xi32, #tpu.memory_space<vmem>> -> memref<128xi32, #tpu.memory_space<vmem>>
    %dma_wait3A_46 = arith.constant 0 : i32
    %dma_wait3A_47 = arith.constant 0 : i32
    %dma_wait3A_48 = tpu.memref_slice %arg3[%dma_wait3A_46, %dma_wait3A_47] : memref<100000x128xf32, #tpu.memory_space<hbm>> -> memref<100000x128xf32, #tpu.memory_space<hbm>>
    tpu.wait_indirect_dma semaphore(%arg7 : memref<!tpu.dma_semaphore, #tpu.memory_space<semaphore_mem>>) src(%dma_wait3A_48 : memref<100000x128xf32, #tpu.memory_space<hbm>>) dst(%dma_wait3A_42 : memref<128x128xf32, #tpu.memory_space<vmem>>)
    %dma_start3A_49 = arith.constant 0 : i32
    %dma_start3A_50 = arith.constant 0 : i32
    %dma_start3A_51 = arith.constant 0 : i32
    %dma_start3A_52 = arith.constant 0 : i32
    %dma_start3A_53 = tpu.memref_slice %arg6[%dma_start3A_49, %dma_start3A_51, %dma_start3A_52] : memref<6x128x128xf32, #tpu.memory_space<vmem>> -> memref<1x128x128xf32, #tpu.memory_space<vmem>>
    %dma_start3A_54 = tpu.memref_squeeze %dma_start3A_53 : memref<1x128x128xf32, #tpu.memory_space<vmem>> -> memref<128x128xf32, #tpu.memory_space<vmem>>
    %dma_start3A_55 = arith.constant 0 : i32
    %dma_start3A_56 = tpu.memref_slice %arg4[%dma_start3A_50, %mul3A_2, %dma_start3A_55] : memref<50x4096x128xf32, #tpu.memory_space<hbm>> -> memref<1x128x128xf32, #tpu.memory_space<hbm>>
    %dma_start3A_57 = tpu.memref_squeeze %dma_start3A_56 : memref<1x128x128xf32, #tpu.memory_space<hbm>> -> memref<128x128xf32, #tpu.memory_space<hbm>>
    %dma_start3A_58 = arith.constant 0 : i32
    %dma_start3A_59 = tpu.memref_slice %arg4[%dma_start3A_50, %mul3A_2, %dma_start3A_58] : memref<50x4096x128xf32, #tpu.memory_space<hbm>> -> memref<1x128x128xf32, #tpu.memory_space<hbm>>
    %dma_start3A_60 = tpu.memref_squeeze %dma_start3A_59 : memref<1x128x128xf32, #tpu.memory_space<hbm>> -> memref<128x128xf32, #tpu.memory_space<hbm>>
    %dma_start3A_61 = arith.constant 0 : i32
    %dma_start3A_62 = arith.constant 0 : i32
    %dma_start3A_63 = tpu.memref_slice %arg6[%dma_start3A_49, %dma_start3A_61, %dma_start3A_62] : memref<6x128x128xf32, #tpu.memory_space<vmem>> -> memref<1x128x128xf32, #tpu.memory_space<vmem>>
    %dma_start3A_64 = tpu.memref_squeeze %dma_start3A_63 : memref<1x128x128xf32, #tpu.memory_space<vmem>> -> memref<128x128xf32, #tpu.memory_space<vmem>>
    tpu.enqueue_dma source(%dma_start3A_64 : memref<128x128xf32, #tpu.memory_space<vmem>>) target(%dma_start3A_60 : memref<128x128xf32, #tpu.memory_space<hbm>>) target_semaphore(%arg8 : memref<!tpu.dma_semaphore, #tpu.memory_space<semaphore_mem>>)
    %dma_start3A_65 = arith.constant 3 : i32
    %dma_start3A_66 = arith.constant 3 : i32
    %dma_start3A_67 = arith.constant 0 : i32
    %dma_start3A_68 = arith.constant 0 : i32
    %dma_start3A_69 = tpu.memref_slice %arg6[%dma_start3A_66, %dma_start3A_67, %dma_start3A_68] : memref<6x128x128xf32, #tpu.memory_space<vmem>> -> memref<1x128x128xf32, #tpu.memory_space<vmem>>
    %dma_start3A_70 = tpu.memref_squeeze %dma_start3A_69 : memref<1x128x128xf32, #tpu.memory_space<vmem>> -> memref<128x128xf32, #tpu.memory_space<vmem>>
    %dma_start3A_71 = arith.constant 0 : i32
    %dma_start3A_72 = tpu.memref_slice %arg5[%dma_start3A_65, %dma_start3A_71] : memref<50x128xi32, #tpu.memory_space<vmem>> -> memref<1x128xi32, #tpu.memory_space<vmem>>
    %dma_start3A_73 = tpu.memref_squeeze %dma_start3A_72 : memref<1x128xi32, #tpu.memory_space<vmem>> -> memref<128xi32, #tpu.memory_space<vmem>>
    %dma_start3A_74 = arith.constant 0 : i32
    %dma_start3A_75 = arith.constant 0 : i32
    %dma_start3A_76 = tpu.memref_slice %arg3[%dma_start3A_74, %dma_start3A_75] : memref<100000x128xf32, #tpu.memory_space<hbm>> -> memref<100000x128xf32, #tpu.memory_space<hbm>>
    tpu.enqueue_indirect_dma source(%dma_start3A_76 : memref<100000x128xf32, #tpu.memory_space<hbm>>) target(%dma_start3A_70 : memref<128x128xf32, #tpu.memory_space<vmem>>) offsets(%dma_start3A_73 : memref<128xi32, #tpu.memory_space<vmem>>) semaphore(%arg7 : memref<!tpu.dma_semaphore, #tpu.memory_space<semaphore_mem>>)
    %dma_wait3A_77 = arith.constant 0 : i32
    %dma_wait3A_78 = arith.constant 1 : i32
    %dma_wait3A_79 = arith.constant 0 : i32
    %dma_wait3A_80 = arith.constant 0 : i32
    %dma_wait3A_81 = tpu.memref_slice %arg6[%dma_wait3A_78, %dma_wait3A_79, %dma_wait3A_80] : memref<6x128x128xf32, #tpu.memory_space<vmem>> -> memref<1x128x128xf32, #tpu.memory_space<vmem>>
    %dma_wait3A_82 = tpu.memref_squeeze %dma_wait3A_81 : memref<1x128x128xf32, #tpu.memory_space<vmem>> -> memref<128x128xf32, #tpu.memory_space<vmem>>
    %dma_wait3A_83 = arith.constant 0 : i32
    %dma_wait3A_84 = tpu.memref_slice %arg5[%dma_wait3A_77, %dma_wait3A_83] : memref<50x128xi32, #tpu.memory_space<vmem>> -> memref<1x128xi32, #tpu.memory_space<vmem>>
    %dma_wait3A_85 = tpu.memref_squeeze %dma_wait3A_84 : memref<1x128xi32, #tpu.memory_space<vmem>> -> memref<128xi32, #tpu.memory_space<vmem>>
    %dma_wait3A_86 = arith.constant 0 : i32
    %dma_wait3A_87 = arith.constant 0 : i32
    %dma_wait3A_88 = tpu.memref_slice %arg3[%dma_wait3A_86, %dma_wait3A_87] : memref<100000x128xf32, #tpu.memory_space<hbm>> -> memref<100000x128xf32, #tpu.memory_space<hbm>>
    tpu.wait_indirect_dma semaphore(%arg7 : memref<!tpu.dma_semaphore, #tpu.memory_space<semaphore_mem>>) src(%dma_wait3A_88 : memref<100000x128xf32, #tpu.memory_space<hbm>>) dst(%dma_wait3A_82 : memref<128x128xf32, #tpu.memory_space<vmem>>)
    %dma_start3A_89 = arith.constant 1 : i32
    %dma_start3A_90 = arith.constant 1 : i32
    %dma_start3A_91 = arith.constant 0 : i32
    %dma_start3A_92 = arith.constant 0 : i32
    %dma_start3A_93 = tpu.memref_slice %arg6[%dma_start3A_89, %dma_start3A_91, %dma_start3A_92] : memref<6x128x128xf32, #tpu.memory_space<vmem>> -> memref<1x128x128xf32, #tpu.memory_space<vmem>>
    %dma_start3A_94 = tpu.memref_squeeze %dma_start3A_93 : memref<1x128x128xf32, #tpu.memory_space<vmem>> -> memref<128x128xf32, #tpu.memory_space<vmem>>
    %dma_start3A_95 = arith.constant 0 : i32
    %dma_start3A_96 = tpu.memref_slice %arg4[%dma_start3A_90, %mul3A_2, %dma_start3A_95] : memref<50x4096x128xf32, #tpu.memory_space<hbm>> -> memref<1x128x128xf32, #tpu.memory_space<hbm>>
    %dma_start3A_97 = tpu.memref_squeeze %dma_start3A_96 : memref<1x128x128xf32, #tpu.memory_space<hbm>> -> memref<128x128xf32, #tpu.memory_space<hbm>>
    %dma_start3A_98 = arith.constant 0 : i32
    %dma_start3A_99 = tpu.memref_slice %arg4[%dma_start3A_90, %mul3A_2, %dma_start3A_98] : memref<50x4096x128xf32, #tpu.memory_space<hbm>> -> memref<1x128x128xf32, #tpu.memory_space<hbm>>
    %dma_start3A_100 = tpu.memref_squeeze %dma_start3A_99 : memref<1x128x128xf32, #tpu.memory_space<hbm>> -> memref<128x128xf32, #tpu.memory_space<hbm>>
    %dma_start3A_101 = arith.constant 0 : i32
    %dma_start3A_102 = arith.constant 0 : i32
    %dma_start3A_103 = tpu.memref_slice %arg6[%dma_start3A_89, %dma_start3A_101, %dma_start3A_102] : memref<6x128x128xf32, #tpu.memory_space<vmem>> -> memref<1x128x128xf32, #tpu.memory_space<vmem>>
    %dma_start3A_104 = tpu.memref_squeeze %dma_start3A_103 : memref<1x128x128xf32, #tpu.memory_space<vmem>> -> memref<128x128xf32, #tpu.memory_space<vmem>>
    tpu.enqueue_dma source(%dma_start3A_104 : memref<128x128xf32, #tpu.memory_space<vmem>>) target(%dma_start3A_100 : memref<128x128xf32, #tpu.memory_space<hbm>>) target_semaphore(%arg8 : memref<!tpu.dma_semaphore, #tpu.memory_space<semaphore_mem>>)
    %dma_start3A_105 = arith.constant 4 : i32
    %dma_start3A_106 = arith.constant 4 : i32
    %dma_start3A_107 = arith.constant 0 : i32
    %dma_start3A_108 = arith.constant 0 : i32
    %dma_start3A_109 = tpu.memref_slice %arg6[%dma_start3A_106, %dma_start3A_107, %dma_start3A_108] : memref<6x128x128xf32, #tpu.memory_space<vmem>> -> memref<1x128x128xf32, #tpu.memory_space<vmem>>
    %dma_start3A_110 = tpu.memref_squeeze %dma_start3A_109 : memref<1x128x128xf32, #tpu.memory_space<vmem>> -> memref<128x128xf32, #tpu.memory_space<vmem>>
    %dma_start3A_111 = arith.constant 0 : i32
    %dma_start3A_112 = tpu.memref_slice %arg5[%dma_start3A_105, %dma_start3A_111] : memref<50x128xi32, #tpu.memory_space<vmem>> -> memref<1x128xi32, #tpu.memory_space<vmem>>
    %dma_start3A_113 = tpu.memref_squeeze %dma_start3A_112 : memref<1x128xi32, #tpu.memory_space<vmem>> -> memref<128xi32, #tpu.memory_space<vmem>>
    %dma_start3A_114 = arith.constant 0 : i32
    %dma_start3A_115 = arith.constant 0 : i32
    %dma_start3A_116 = tpu.memref_slice %arg3[%dma_start3A_114, %dma_start3A_115] : memref<100000x128xf32, #tpu.memory_space<hbm>> -> memref<100000x128xf32, #tpu.memory_space<hbm>>
    tpu.enqueue_indirect_dma source(%dma_start3A_116 : memref<100000x128xf32, #tpu.memory_space<hbm>>) target(%dma_start3A_110 : memref<128x128xf32, #tpu.memory_space<vmem>>) offsets(%dma_start3A_113 : memref<128xi32, #tpu.memory_space<vmem>>) semaphore(%arg7 : memref<!tpu.dma_semaphore, #tpu.memory_space<semaphore_mem>>)
    %dma_wait3A_117 = arith.constant 0 : i32
    %dma_wait3A_118 = arith.constant 2 : i32
    %dma_wait3A_119 = arith.constant 0 : i32
    %dma_wait3A_120 = arith.constant 0 : i32
    %dma_wait3A_121 = tpu.memref_slice %arg6[%dma_wait3A_118, %dma_wait3A_119, %dma_wait3A_120] : memref<6x128x128xf32, #tpu.memory_space<vmem>> -> memref<1x128x128xf32, #tpu.memory_space<vmem>>
    %dma_wait3A_122 = tpu.memref_squeeze %dma_wait3A_121 : memref<1x128x128xf32, #tpu.memory_space<vmem>> -> memref<128x128xf32, #tpu.memory_space<vmem>>
    %dma_wait3A_123 = arith.constant 0 : i32
    %dma_wait3A_124 = tpu.memref_slice %arg5[%dma_wait3A_117, %dma_wait3A_123] : memref<50x128xi32, #tpu.memory_space<vmem>> -> memref<1x128xi32, #tpu.memory_space<vmem>>
    %dma_wait3A_125 = tpu.memref_squeeze %dma_wait3A_124 : memref<1x128xi32, #tpu.memory_space<vmem>> -> memref<128xi32, #tpu.memory_space<vmem>>
    %dma_wait3A_126 = arith.constant 0 : i32
    %dma_wait3A_127 = arith.constant 0 : i32
    %dma_wait3A_128 = tpu.memref_slice %arg3[%dma_wait3A_126, %dma_wait3A_127] : memref<100000x128xf32, #tpu.memory_space<hbm>> -> memref<100000x128xf32, #tpu.memory_space<hbm>>
    tpu.wait_indirect_dma semaphore(%arg7 : memref<!tpu.dma_semaphore, #tpu.memory_space<semaphore_mem>>) src(%dma_wait3A_128 : memref<100000x128xf32, #tpu.memory_space<hbm>>) dst(%dma_wait3A_122 : memref<128x128xf32, #tpu.memory_space<vmem>>)
    %dma_start3A_129 = arith.constant 2 : i32
    %dma_start3A_130 = arith.constant 2 : i32
    %dma_start3A_131 = arith.constant 0 : i32
    %dma_start3A_132 = arith.constant 0 : i32
    %dma_start3A_133 = tpu.memref_slice %arg6[%dma_start3A_129, %dma_start3A_131, %dma_start3A_132] : memref<6x128x128xf32, #tpu.memory_space<vmem>> -> memref<1x128x128xf32, #tpu.memory_space<vmem>>
    %dma_start3A_134 = tpu.memref_squeeze %dma_start3A_133 : memref<1x128x128xf32, #tpu.memory_space<vmem>> -> memref<128x128xf32, #tpu.memory_space<vmem>>
    %dma_start3A_135 = arith.constant 0 : i32
    %dma_start3A_136 = tpu.memref_slice %arg4[%dma_start3A_130, %mul3A_2, %dma_start3A_135] : memref<50x4096x128xf32, #tpu.memory_space<hbm>> -> memref<1x128x128xf32, #tpu.memory_space<hbm>>
    %dma_start3A_137 = tpu.memref_squeeze %dma_start3A_136 : memref<1x128x128xf32, #tpu.memory_space<hbm>> -> memref<128x128xf32, #tpu.memory_space<hbm>>
    %dma_start3A_138 = arith.constant 0 : i32
    %dma_start3A_139 = tpu.memref_slice %arg4[%dma_start3A_130, %mul3A_2, %dma_start3A_138] : memref<50x4096x128xf32, #tpu.memory_space<hbm>> -> memref<1x128x128xf32, #tpu.memory_space<hbm>>
    %dma_start3A_140 = tpu.memref_squeeze %dma_start3A_139 : memref<1x128x128xf32, #tpu.memory_space<hbm>> -> memref<128x128xf32, #tpu.memory_space<hbm>>
    %dma_start3A_141 = arith.constant 0 : i32
    %dma_start3A_142 = arith.constant 0 : i32
    %dma_start3A_143 = tpu.memref_slice %arg6[%dma_start3A_129, %dma_start3A_141, %dma_start3A_142] : memref<6x128x128xf32, #tpu.memory_space<vmem>> -> memref<1x128x128xf32, #tpu.memory_space<vmem>>
    %dma_start3A_144 = tpu.memref_squeeze %dma_start3A_143 : memref<1x128x128xf32, #tpu.memory_space<vmem>> -> memref<128x128xf32, #tpu.memory_space<vmem>>
    tpu.enqueue_dma source(%dma_start3A_144 : memref<128x128xf32, #tpu.memory_space<vmem>>) target(%dma_start3A_140 : memref<128x128xf32, #tpu.memory_space<hbm>>) target_semaphore(%arg8 : memref<!tpu.dma_semaphore, #tpu.memory_space<semaphore_mem>>)
    %dma_start3A_145 = arith.constant 5 : i32
    %dma_start3A_146 = arith.constant 5 : i32
    %dma_start3A_147 = arith.constant 0 : i32
    %dma_start3A_148 = arith.constant 0 : i32
    %dma_start3A_149 = tpu.memref_slice %arg6[%dma_start3A_146, %dma_start3A_147, %dma_start3A_148] : memref<6x128x128xf32, #tpu.memory_space<vmem>> -> memref<1x128x128xf32, #tpu.memory_space<vmem>>
    %dma_start3A_150 = tpu.memref_squeeze %dma_start3A_149 : memref<1x128x128xf32, #tpu.memory_space<vmem>> -> memref<128x128xf32, #tpu.memory_space<vmem>>
    %dma_start3A_151 = arith.constant 0 : i32
    %dma_start3A_152 = tpu.memref_slice %arg5[%dma_start3A_145, %dma_start3A_151] : memref<50x128xi32, #tpu.memory_space<vmem>> -> memref<1x128xi32, #tpu.memory_space<vmem>>
    %dma_start3A_153 = tpu.memref_squeeze %dma_start3A_152 : memref<1x128xi32, #tpu.memory_space<vmem>> -> memref<128xi32, #tpu.memory_space<vmem>>
    %dma_start3A_154 = arith.constant 0 : i32
    %dma_start3A_155 = arith.constant 0 : i32
    %dma_start3A_156 = tpu.memref_slice %arg3[%dma_start3A_154, %dma_start3A_155] : memref<100000x128xf32, #tpu.memory_space<hbm>> -> memref<100000x128xf32, #tpu.memory_space<hbm>>
    tpu.enqueue_indirect_dma source(%dma_start3A_156 : memref<100000x128xf32, #tpu.memory_space<hbm>>) target(%dma_start3A_150 : memref<128x128xf32, #tpu.memory_space<vmem>>) offsets(%dma_start3A_153 : memref<128xi32, #tpu.memory_space<vmem>>) semaphore(%arg7 : memref<!tpu.dma_semaphore, #tpu.memory_space<semaphore_mem>>)
    %scan3A = arith.constant 0 : i32
    %scan3A_157 = arith.constant 3 : i32
    %scan3A_158 = arith.constant 44 : i32
    %scan3A_159 = arith.addi %scan3A_157, %scan3A_158 : i32
    %scan3A_160 = arith.constant 1 : i32
    scf.for %scan3A_342 = %scan3A_157 to %scan3A_159 step %scan3A_160  : i32 {
      %rem3A = arith.constant 6 : i32
      %rem3A_343 = arith.remsi %scan3A_342, %rem3A : i32
      %dma_wait3A_344 = arith.constant 0 : i32
      %dma_wait3A_345 = arith.constant 0 : i32
      %dma_wait3A_346 = arith.constant 0 : i32
      %dma_wait3A_347 = tpu.memref_slice %arg6[%rem3A_343, %dma_wait3A_345, %dma_wait3A_346] : memref<6x128x128xf32, #tpu.memory_space<vmem>> -> memref<1x128x128xf32, #tpu.memory_space<vmem>>
      %dma_wait3A_348 = tpu.memref_squeeze %dma_wait3A_347 : memref<1x128x128xf32, #tpu.memory_space<vmem>> -> memref<128x128xf32, #tpu.memory_space<vmem>>
      %dma_wait3A_349 = arith.constant 0 : i32
      %dma_wait3A_350 = tpu.memref_slice %arg5[%dma_wait3A_344, %dma_wait3A_349] : memref<50x128xi32, #tpu.memory_space<vmem>> -> memref<1x128xi32, #tpu.memory_space<vmem>>
      %dma_wait3A_351 = tpu.memref_squeeze %dma_wait3A_350 : memref<1x128xi32, #tpu.memory_space<vmem>> -> memref<128xi32, #tpu.memory_space<vmem>>
      %dma_wait3A_352 = arith.constant 0 : i32
      %dma_wait3A_353 = arith.constant 0 : i32
      %dma_wait3A_354 = tpu.memref_slice %arg3[%dma_wait3A_352, %dma_wait3A_353] : memref<100000x128xf32, #tpu.memory_space<hbm>> -> memref<100000x128xf32, #tpu.memory_space<hbm>>
      tpu.wait_indirect_dma semaphore(%arg7 : memref<!tpu.dma_semaphore, #tpu.memory_space<semaphore_mem>>) src(%dma_wait3A_354 : memref<100000x128xf32, #tpu.memory_space<hbm>>) dst(%dma_wait3A_348 : memref<128x128xf32, #tpu.memory_space<vmem>>)
      %dma_start3A_355 = arith.constant 0 : i32
      %dma_start3A_356 = arith.constant 0 : i32
      %dma_start3A_357 = tpu.memref_slice %arg6[%rem3A_343, %dma_start3A_355, %dma_start3A_356] : memref<6x128x128xf32, #tpu.memory_space<vmem>> -> memref<1x128x128xf32, #tpu.memory_space<vmem>>
      %dma_start3A_358 = tpu.memref_squeeze %dma_start3A_357 : memref<1x128x128xf32, #tpu.memory_space<vmem>> -> memref<128x128xf32, #tpu.memory_space<vmem>>
      %dma_start3A_359 = arith.constant 0 : i32
      %dma_start3A_360 = tpu.memref_slice %arg4[%scan3A_342, %mul3A_2, %dma_start3A_359] : memref<50x4096x128xf32, #tpu.memory_space<hbm>> -> memref<1x128x128xf32, #tpu.memory_space<hbm>>
      %dma_start3A_361 = tpu.memref_squeeze %dma_start3A_360 : memref<1x128x128xf32, #tpu.memory_space<hbm>> -> memref<128x128xf32, #tpu.memory_space<hbm>>
      %dma_start3A_362 = arith.constant 0 : i32
      %dma_start3A_363 = tpu.memref_slice %arg4[%scan3A_342, %mul3A_2, %dma_start3A_362] : memref<50x4096x128xf32, #tpu.memory_space<hbm>> -> memref<1x128x128xf32, #tpu.memory_space<hbm>>
      %dma_start3A_364 = tpu.memref_squeeze %dma_start3A_363 : memref<1x128x128xf32, #tpu.memory_space<hbm>> -> memref<128x128xf32, #tpu.memory_space<hbm>>
      %dma_start3A_365 = arith.constant 0 : i32
      %dma_start3A_366 = arith.constant 0 : i32
      %dma_start3A_367 = tpu.memref_slice %arg6[%rem3A_343, %dma_start3A_365, %dma_start3A_366] : memref<6x128x128xf32, #tpu.memory_space<vmem>> -> memref<1x128x128xf32, #tpu.memory_space<vmem>>
      %dma_start3A_368 = tpu.memref_squeeze %dma_start3A_367 : memref<1x128x128xf32, #tpu.memory_space<vmem>> -> memref<128x128xf32, #tpu.memory_space<vmem>>
      tpu.enqueue_dma source(%dma_start3A_368 : memref<128x128xf32, #tpu.memory_space<vmem>>) target(%dma_start3A_364 : memref<128x128xf32, #tpu.memory_space<hbm>>) target_semaphore(%arg8 : memref<!tpu.dma_semaphore, #tpu.memory_space<semaphore_mem>>)
      %dma_wait3A_369 = arith.constant 0 : i32
      %dma_wait3A_370 = arith.constant 0 : i32
      %dma_wait3A_371 = arith.constant 0 : i32
      %dma_wait3A_372 = arith.constant 0 : i32
      %dma_wait3A_373 = tpu.memref_slice %arg6[%dma_wait3A_369, %dma_wait3A_371, %dma_wait3A_372] : memref<6x128x128xf32, #tpu.memory_space<vmem>> -> memref<1x128x128xf32, #tpu.memory_space<vmem>>
      %dma_wait3A_374 = tpu.memref_squeeze %dma_wait3A_373 : memref<1x128x128xf32, #tpu.memory_space<vmem>> -> memref<128x128xf32, #tpu.memory_space<vmem>>
      %dma_wait3A_375 = arith.constant 0 : i32
      %dma_wait3A_376 = tpu.memref_slice %arg4[%dma_wait3A_370, %mul3A_2, %dma_wait3A_375] : memref<50x4096x128xf32, #tpu.memory_space<hbm>> -> memref<1x128x128xf32, #tpu.memory_space<hbm>>
      %dma_wait3A_377 = tpu.memref_squeeze %dma_wait3A_376 : memref<1x128x128xf32, #tpu.memory_space<hbm>> -> memref<128x128xf32, #tpu.memory_space<hbm>>
      %dma_wait3A_378 = arith.constant 0 : i32
      %dma_wait3A_379 = tpu.memref_slice %arg4[%dma_wait3A_370, %mul3A_2, %dma_wait3A_378] : memref<50x4096x128xf32, #tpu.memory_space<hbm>> -> memref<1x128x128xf32, #tpu.memory_space<hbm>>
      %dma_wait3A_380 = tpu.memref_squeeze %dma_wait3A_379 : memref<1x128x128xf32, #tpu.memory_space<hbm>> -> memref<128x128xf32, #tpu.memory_space<hbm>>
      %dma_wait3A_381 = arith.constant 0 : i32
      %dma_wait3A_382 = arith.constant 0 : i32
      %dma_wait3A_383 = tpu.memref_slice %arg6[%dma_wait3A_369, %dma_wait3A_381, %dma_wait3A_382] : memref<6x128x128xf32, #tpu.memory_space<vmem>> -> memref<1x128x128xf32, #tpu.memory_space<vmem>>
      %dma_wait3A_384 = tpu.memref_squeeze %dma_wait3A_383 : memref<1x128x128xf32, #tpu.memory_space<vmem>> -> memref<128x128xf32, #tpu.memory_space<vmem>>
      tpu.wait_dma2 semaphore(%arg8 : memref<!tpu.dma_semaphore, #tpu.memory_space<semaphore_mem>>) src(%dma_wait3A_384 : memref<128x128xf32, #tpu.memory_space<vmem>>) dst(%dma_wait3A_380 : memref<128x128xf32, #tpu.memory_space<hbm>>)
      %add3A_385 = arith.constant 3 : i32
      %add3A_386 = arith.addi %scan3A_342, %add3A_385 : i32
      %add3A_387 = arith.constant 3 : i32
      %add3A_388 = arith.addi %scan3A_342, %add3A_387 : i32
      %rem3A_389 = arith.constant 6 : i32
      %rem3A_390 = arith.remsi %add3A_388, %rem3A_389 : i32
      %dma_start3A_391 = arith.constant 0 : i32
      %dma_start3A_392 = arith.constant 0 : i32
      %dma_start3A_393 = tpu.memref_slice %arg6[%rem3A_390, %dma_start3A_391, %dma_start3A_392] : memref<6x128x128xf32, #tpu.memory_space<vmem>> -> memref<1x128x128xf32, #tpu.memory_space<vmem>>
      %dma_start3A_394 = tpu.memref_squeeze %dma_start3A_393 : memref<1x128x128xf32, #tpu.memory_space<vmem>> -> memref<128x128xf32, #tpu.memory_space<vmem>>
      %dma_start3A_395 = arith.constant 0 : i32
      %dma_start3A_396 = tpu.memref_slice %arg5[%add3A_386, %dma_start3A_395] : memref<50x128xi32, #tpu.memory_space<vmem>> -> memref<1x128xi32, #tpu.memory_space<vmem>>
      %dma_start3A_397 = tpu.memref_squeeze %dma_start3A_396 : memref<1x128xi32, #tpu.memory_space<vmem>> -> memref<128xi32, #tpu.memory_space<vmem>>
      %dma_start3A_398 = arith.constant 0 : i32
      %dma_start3A_399 = arith.constant 0 : i32
      %dma_start3A_400 = tpu.memref_slice %arg3[%dma_start3A_398, %dma_start3A_399] : memref<100000x128xf32, #tpu.memory_space<hbm>> -> memref<100000x128xf32, #tpu.memory_space<hbm>>
      tpu.enqueue_indirect_dma source(%dma_start3A_400 : memref<100000x128xf32, #tpu.memory_space<hbm>>) target(%dma_start3A_394 : memref<128x128xf32, #tpu.memory_space<vmem>>) offsets(%dma_start3A_397 : memref<128xi32, #tpu.memory_space<vmem>>) semaphore(%arg7 : memref<!tpu.dma_semaphore, #tpu.memory_space<semaphore_mem>>)
    }
    %scan3A_161 = arith.constant 44 : i32
    %dma_wait3A_162 = arith.constant 0 : i32
    %dma_wait3A_163 = arith.constant 5 : i32
    %dma_wait3A_164 = arith.constant 0 : i32
    %dma_wait3A_165 = arith.constant 0 : i32
    %dma_wait3A_166 = tpu.memref_slice %arg6[%dma_wait3A_163, %dma_wait3A_164, %dma_wait3A_165] : memref<6x128x128xf32, #tpu.memory_space<vmem>> -> memref<1x128x128xf32, #tpu.memory_space<vmem>>
    %dma_wait3A_167 = tpu.memref_squeeze %dma_wait3A_166 : memref<1x128x128xf32, #tpu.memory_space<vmem>> -> memref<128x128xf32, #tpu.memory_space<vmem>>
    %dma_wait3A_168 = arith.constant 0 : i32
    %dma_wait3A_169 = tpu.memref_slice %arg5[%dma_wait3A_162, %dma_wait3A_168] : memref<50x128xi32, #tpu.memory_space<vmem>> -> memref<1x128xi32, #tpu.memory_space<vmem>>
    %dma_wait3A_170 = tpu.memref_squeeze %dma_wait3A_169 : memref<1x128xi32, #tpu.memory_space<vmem>> -> memref<128xi32, #tpu.memory_space<vmem>>
    %dma_wait3A_171 = arith.constant 0 : i32
    %dma_wait3A_172 = arith.constant 0 : i32
    %dma_wait3A_173 = tpu.memref_slice %arg3[%dma_wait3A_171, %dma_wait3A_172] : memref<100000x128xf32, #tpu.memory_space<hbm>> -> memref<100000x128xf32, #tpu.memory_space<hbm>>
    tpu.wait_indirect_dma semaphore(%arg7 : memref<!tpu.dma_semaphore, #tpu.memory_space<semaphore_mem>>) src(%dma_wait3A_173 : memref<100000x128xf32, #tpu.memory_space<hbm>>) dst(%dma_wait3A_167 : memref<128x128xf32, #tpu.memory_space<vmem>>)
    %dma_start3A_174 = arith.constant 5 : i32
    %dma_start3A_175 = arith.constant 47 : i32
    %dma_start3A_176 = arith.constant 0 : i32
    %dma_start3A_177 = arith.constant 0 : i32
    %dma_start3A_178 = tpu.memref_slice %arg6[%dma_start3A_174, %dma_start3A_176, %dma_start3A_177] : memref<6x128x128xf32, #tpu.memory_space<vmem>> -> memref<1x128x128xf32, #tpu.memory_space<vmem>>
    %dma_start3A_179 = tpu.memref_squeeze %dma_start3A_178 : memref<1x128x128xf32, #tpu.memory_space<vmem>> -> memref<128x128xf32, #tpu.memory_space<vmem>>
    %dma_start3A_180 = arith.constant 0 : i32
    %dma_start3A_181 = tpu.memref_slice %arg4[%dma_start3A_175, %mul3A_2, %dma_start3A_180] : memref<50x4096x128xf32, #tpu.memory_space<hbm>> -> memref<1x128x128xf32, #tpu.memory_space<hbm>>
    %dma_start3A_182 = tpu.memref_squeeze %dma_start3A_181 : memref<1x128x128xf32, #tpu.memory_space<hbm>> -> memref<128x128xf32, #tpu.memory_space<hbm>>
    %dma_start3A_183 = arith.constant 0 : i32
    %dma_start3A_184 = tpu.memref_slice %arg4[%dma_start3A_175, %mul3A_2, %dma_start3A_183] : memref<50x4096x128xf32, #tpu.memory_space<hbm>> -> memref<1x128x128xf32, #tpu.memory_space<hbm>>
    %dma_start3A_185 = tpu.memref_squeeze %dma_start3A_184 : memref<1x128x128xf32, #tpu.memory_space<hbm>> -> memref<128x128xf32, #tpu.memory_space<hbm>>
    %dma_start3A_186 = arith.constant 0 : i32
    %dma_start3A_187 = arith.constant 0 : i32
    %dma_start3A_188 = tpu.memref_slice %arg6[%dma_start3A_174, %dma_start3A_186, %dma_start3A_187] : memref<6x128x128xf32, #tpu.memory_space<vmem>> -> memref<1x128x128xf32, #tpu.memory_space<vmem>>
    %dma_start3A_189 = tpu.memref_squeeze %dma_start3A_188 : memref<1x128x128xf32, #tpu.memory_space<vmem>> -> memref<128x128xf32, #tpu.memory_space<vmem>>
    tpu.enqueue_dma source(%dma_start3A_189 : memref<128x128xf32, #tpu.memory_space<vmem>>) target(%dma_start3A_185 : memref<128x128xf32, #tpu.memory_space<hbm>>) target_semaphore(%arg8 : memref<!tpu.dma_semaphore, #tpu.memory_space<semaphore_mem>>)
    %dma_wait3A_190 = arith.constant 0 : i32
    %dma_wait3A_191 = arith.constant 0 : i32
    %dma_wait3A_192 = arith.constant 0 : i32
    %dma_wait3A_193 = arith.constant 0 : i32
    %dma_wait3A_194 = tpu.memref_slice %arg6[%dma_wait3A_191, %dma_wait3A_192, %dma_wait3A_193] : memref<6x128x128xf32, #tpu.memory_space<vmem>> -> memref<1x128x128xf32, #tpu.memory_space<vmem>>
    %dma_wait3A_195 = tpu.memref_squeeze %dma_wait3A_194 : memref<1x128x128xf32, #tpu.memory_space<vmem>> -> memref<128x128xf32, #tpu.memory_space<vmem>>
    %dma_wait3A_196 = arith.constant 0 : i32
    %dma_wait3A_197 = tpu.memref_slice %arg5[%dma_wait3A_190, %dma_wait3A_196] : memref<50x128xi32, #tpu.memory_space<vmem>> -> memref<1x128xi32, #tpu.memory_space<vmem>>
    %dma_wait3A_198 = tpu.memref_squeeze %dma_wait3A_197 : memref<1x128xi32, #tpu.memory_space<vmem>> -> memref<128xi32, #tpu.memory_space<vmem>>
    %dma_wait3A_199 = arith.constant 0 : i32
    %dma_wait3A_200 = arith.constant 0 : i32
    %dma_wait3A_201 = tpu.memref_slice %arg3[%dma_wait3A_199, %dma_wait3A_200] : memref<100000x128xf32, #tpu.memory_space<hbm>> -> memref<100000x128xf32, #tpu.memory_space<hbm>>
    tpu.wait_indirect_dma semaphore(%arg7 : memref<!tpu.dma_semaphore, #tpu.memory_space<semaphore_mem>>) src(%dma_wait3A_201 : memref<100000x128xf32, #tpu.memory_space<hbm>>) dst(%dma_wait3A_195 : memref<128x128xf32, #tpu.memory_space<vmem>>)
    %dma_start3A_202 = arith.constant 0 : i32
    %dma_start3A_203 = arith.constant 48 : i32
    %dma_start3A_204 = arith.constant 0 : i32
    %dma_start3A_205 = arith.constant 0 : i32
    %dma_start3A_206 = tpu.memref_slice %arg6[%dma_start3A_202, %dma_start3A_204, %dma_start3A_205] : memref<6x128x128xf32, #tpu.memory_space<vmem>> -> memref<1x128x128xf32, #tpu.memory_space<vmem>>
    %dma_start3A_207 = tpu.memref_squeeze %dma_start3A_206 : memref<1x128x128xf32, #tpu.memory_space<vmem>> -> memref<128x128xf32, #tpu.memory_space<vmem>>
    %dma_start3A_208 = arith.constant 0 : i32
    %dma_start3A_209 = tpu.memref_slice %arg4[%dma_start3A_203, %mul3A_2, %dma_start3A_208] : memref<50x4096x128xf32, #tpu.memory_space<hbm>> -> memref<1x128x128xf32, #tpu.memory_space<hbm>>
    %dma_start3A_210 = tpu.memref_squeeze %dma_start3A_209 : memref<1x128x128xf32, #tpu.memory_space<hbm>> -> memref<128x128xf32, #tpu.memory_space<hbm>>
    %dma_start3A_211 = arith.constant 0 : i32
    %dma_start3A_212 = tpu.memref_slice %arg4[%dma_start3A_203, %mul3A_2, %dma_start3A_211] : memref<50x4096x128xf32, #tpu.memory_space<hbm>> -> memref<1x128x128xf32, #tpu.memory_space<hbm>>
    %dma_start3A_213 = tpu.memref_squeeze %dma_start3A_212 : memref<1x128x128xf32, #tpu.memory_space<hbm>> -> memref<128x128xf32, #tpu.memory_space<hbm>>
    %dma_start3A_214 = arith.constant 0 : i32
    %dma_start3A_215 = arith.constant 0 : i32
    %dma_start3A_216 = tpu.memref_slice %arg6[%dma_start3A_202, %dma_start3A_214, %dma_start3A_215] : memref<6x128x128xf32, #tpu.memory_space<vmem>> -> memref<1x128x128xf32, #tpu.memory_space<vmem>>
    %dma_start3A_217 = tpu.memref_squeeze %dma_start3A_216 : memref<1x128x128xf32, #tpu.memory_space<vmem>> -> memref<128x128xf32, #tpu.memory_space<vmem>>
    tpu.enqueue_dma source(%dma_start3A_217 : memref<128x128xf32, #tpu.memory_space<vmem>>) target(%dma_start3A_213 : memref<128x128xf32, #tpu.memory_space<hbm>>) target_semaphore(%arg8 : memref<!tpu.dma_semaphore, #tpu.memory_space<semaphore_mem>>)
    %dma_wait3A_218 = arith.constant 0 : i32
    %dma_wait3A_219 = arith.constant 1 : i32
    %dma_wait3A_220 = arith.constant 0 : i32
    %dma_wait3A_221 = arith.constant 0 : i32
    %dma_wait3A_222 = tpu.memref_slice %arg6[%dma_wait3A_219, %dma_wait3A_220, %dma_wait3A_221] : memref<6x128x128xf32, #tpu.memory_space<vmem>> -> memref<1x128x128xf32, #tpu.memory_space<vmem>>
    %dma_wait3A_223 = tpu.memref_squeeze %dma_wait3A_222 : memref<1x128x128xf32, #tpu.memory_space<vmem>> -> memref<128x128xf32, #tpu.memory_space<vmem>>
    %dma_wait3A_224 = arith.constant 0 : i32
    %dma_wait3A_225 = tpu.memref_slice %arg5[%dma_wait3A_218, %dma_wait3A_224] : memref<50x128xi32, #tpu.memory_space<vmem>> -> memref<1x128xi32, #tpu.memory_space<vmem>>
    %dma_wait3A_226 = tpu.memref_squeeze %dma_wait3A_225 : memref<1x128xi32, #tpu.memory_space<vmem>> -> memref<128xi32, #tpu.memory_space<vmem>>
    %dma_wait3A_227 = arith.constant 0 : i32
    %dma_wait3A_228 = arith.constant 0 : i32
    %dma_wait3A_229 = tpu.memref_slice %arg3[%dma_wait3A_227, %dma_wait3A_228] : memref<100000x128xf32, #tpu.memory_space<hbm>> -> memref<100000x128xf32, #tpu.memory_space<hbm>>
    tpu.wait_indirect_dma semaphore(%arg7 : memref<!tpu.dma_semaphore, #tpu.memory_space<semaphore_mem>>) src(%dma_wait3A_229 : memref<100000x128xf32, #tpu.memory_space<hbm>>) dst(%dma_wait3A_223 : memref<128x128xf32, #tpu.memory_space<vmem>>)
    %dma_start3A_230 = arith.constant 1 : i32
    %dma_start3A_231 = arith.constant 49 : i32
    %dma_start3A_232 = arith.constant 0 : i32
    %dma_start3A_233 = arith.constant 0 : i32
    %dma_start3A_234 = tpu.memref_slice %arg6[%dma_start3A_230, %dma_start3A_232, %dma_start3A_233] : memref<6x128x128xf32, #tpu.memory_space<vmem>> -> memref<1x128x128xf32, #tpu.memory_space<vmem>>
    %dma_start3A_235 = tpu.memref_squeeze %dma_start3A_234 : memref<1x128x128xf32, #tpu.memory_space<vmem>> -> memref<128x128xf32, #tpu.memory_space<vmem>>
    %dma_start3A_236 = arith.constant 0 : i32
    %dma_start3A_237 = tpu.memref_slice %arg4[%dma_start3A_231, %mul3A_2, %dma_start3A_236] : memref<50x4096x128xf32, #tpu.memory_space<hbm>> -> memref<1x128x128xf32, #tpu.memory_space<hbm>>
    %dma_start3A_238 = tpu.memref_squeeze %dma_start3A_237 : memref<1x128x128xf32, #tpu.memory_space<hbm>> -> memref<128x128xf32, #tpu.memory_space<hbm>>
    %dma_start3A_239 = arith.constant 0 : i32
    %dma_start3A_240 = tpu.memref_slice %arg4[%dma_start3A_231, %mul3A_2, %dma_start3A_239] : memref<50x4096x128xf32, #tpu.memory_space<hbm>> -> memref<1x128x128xf32, #tpu.memory_space<hbm>>
    %dma_start3A_241 = tpu.memref_squeeze %dma_start3A_240 : memref<1x128x128xf32, #tpu.memory_space<hbm>> -> memref<128x128xf32, #tpu.memory_space<hbm>>
    %dma_start3A_242 = arith.constant 0 : i32
    %dma_start3A_243 = arith.constant 0 : i32
    %dma_start3A_244 = tpu.memref_slice %arg6[%dma_start3A_230, %dma_start3A_242, %dma_start3A_243] : memref<6x128x128xf32, #tpu.memory_space<vmem>> -> memref<1x128x128xf32, #tpu.memory_space<vmem>>
    %dma_start3A_245 = tpu.memref_squeeze %dma_start3A_244 : memref<1x128x128xf32, #tpu.memory_space<vmem>> -> memref<128x128xf32, #tpu.memory_space<vmem>>
    tpu.enqueue_dma source(%dma_start3A_245 : memref<128x128xf32, #tpu.memory_space<vmem>>) target(%dma_start3A_241 : memref<128x128xf32, #tpu.memory_space<hbm>>) target_semaphore(%arg8 : memref<!tpu.dma_semaphore, #tpu.memory_space<semaphore_mem>>)
    %dma_wait3A_246 = arith.constant 0 : i32
    %dma_wait3A_247 = arith.constant 0 : i32
    %dma_wait3A_248 = arith.constant 0 : i32
    %dma_wait3A_249 = arith.constant 0 : i32
    %dma_wait3A_250 = tpu.memref_slice %arg6[%dma_wait3A_246, %dma_wait3A_248, %dma_wait3A_249] : memref<6x128x128xf32, #tpu.memory_space<vmem>> -> memref<1x128x128xf32, #tpu.memory_space<vmem>>
    %dma_wait3A_251 = tpu.memref_squeeze %dma_wait3A_250 : memref<1x128x128xf32, #tpu.memory_space<vmem>> -> memref<128x128xf32, #tpu.memory_space<vmem>>
    %dma_wait3A_252 = arith.constant 0 : i32
    %dma_wait3A_253 = tpu.memref_slice %arg4[%dma_wait3A_247, %mul3A_2, %dma_wait3A_252] : memref<50x4096x128xf32, #tpu.memory_space<hbm>> -> memref<1x128x128xf32, #tpu.memory_space<hbm>>
    %dma_wait3A_254 = tpu.memref_squeeze %dma_wait3A_253 : memref<1x128x128xf32, #tpu.memory_space<hbm>> -> memref<128x128xf32, #tpu.memory_space<hbm>>
    %dma_wait3A_255 = arith.constant 0 : i32
    %dma_wait3A_256 = tpu.memref_slice %arg4[%dma_wait3A_247, %mul3A_2, %dma_wait3A_255] : memref<50x4096x128xf32, #tpu.memory_space<hbm>> -> memref<1x128x128xf32, #tpu.memory_space<hbm>>
    %dma_wait3A_257 = tpu.memref_squeeze %dma_wait3A_256 : memref<1x128x128xf32, #tpu.memory_space<hbm>> -> memref<128x128xf32, #tpu.memory_space<hbm>>
    %dma_wait3A_258 = arith.constant 0 : i32
    %dma_wait3A_259 = arith.constant 0 : i32
    %dma_wait3A_260 = tpu.memref_slice %arg6[%dma_wait3A_246, %dma_wait3A_258, %dma_wait3A_259] : memref<6x128x128xf32, #tpu.memory_space<vmem>> -> memref<1x128x128xf32, #tpu.memory_space<vmem>>
    %dma_wait3A_261 = tpu.memref_squeeze %dma_wait3A_260 : memref<1x128x128xf32, #tpu.memory_space<vmem>> -> memref<128x128xf32, #tpu.memory_space<vmem>>
    tpu.wait_dma2 semaphore(%arg8 : memref<!tpu.dma_semaphore, #tpu.memory_space<semaphore_mem>>) src(%dma_wait3A_261 : memref<128x128xf32, #tpu.memory_space<vmem>>) dst(%dma_wait3A_257 : memref<128x128xf32, #tpu.memory_space<hbm>>)
    %dma_wait3A_262 = arith.constant 0 : i32
    %dma_wait3A_263 = arith.constant 0 : i32
    %dma_wait3A_264 = arith.constant 0 : i32
    %dma_wait3A_265 = arith.constant 0 : i32
    %dma_wait3A_266 = tpu.memref_slice %arg6[%dma_wait3A_262, %dma_wait3A_264, %dma_wait3A_265] : memref<6x128x128xf32, #tpu.memory_space<vmem>> -> memref<1x128x128xf32, #tpu.memory_space<vmem>>
    %dma_wait3A_267 = tpu.memref_squeeze %dma_wait3A_266 : memref<1x128x128xf32, #tpu.memory_space<vmem>> -> memref<128x128xf32, #tpu.memory_space<vmem>>
    %dma_wait3A_268 = arith.constant 0 : i32
    %dma_wait3A_269 = tpu.memref_slice %arg4[%dma_wait3A_263, %mul3A_2, %dma_wait3A_268] : memref<50x4096x128xf32, #tpu.memory_space<hbm>> -> memref<1x128x128xf32, #tpu.memory_space<hbm>>
    %dma_wait3A_270 = tpu.memref_squeeze %dma_wait3A_269 : memref<1x128x128xf32, #tpu.memory_space<hbm>> -> memref<128x128xf32, #tpu.memory_space<hbm>>
    %dma_wait3A_271 = arith.constant 0 : i32
    %dma_wait3A_272 = tpu.memref_slice %arg4[%dma_wait3A_263, %mul3A_2, %dma_wait3A_271] : memref<50x4096x128xf32, #tpu.memory_space<hbm>> -> memref<1x128x128xf32, #tpu.memory_space<hbm>>
    %dma_wait3A_273 = tpu.memref_squeeze %dma_wait3A_272 : memref<1x128x128xf32, #tpu.memory_space<hbm>> -> memref<128x128xf32, #tpu.memory_space<hbm>>
    %dma_wait3A_274 = arith.constant 0 : i32
    %dma_wait3A_275 = arith.constant 0 : i32
    %dma_wait3A_276 = tpu.memref_slice %arg6[%dma_wait3A_262, %dma_wait3A_274, %dma_wait3A_275] : memref<6x128x128xf32, #tpu.memory_space<vmem>> -> memref<1x128x128xf32, #tpu.memory_space<vmem>>
    %dma_wait3A_277 = tpu.memref_squeeze %dma_wait3A_276 : memref<1x128x128xf32, #tpu.memory_space<vmem>> -> memref<128x128xf32, #tpu.memory_space<vmem>>
    tpu.wait_dma2 semaphore(%arg8 : memref<!tpu.dma_semaphore, #tpu.memory_space<semaphore_mem>>) src(%dma_wait3A_277 : memref<128x128xf32, #tpu.memory_space<vmem>>) dst(%dma_wait3A_273 : memref<128x128xf32, #tpu.memory_space<hbm>>)
    %dma_wait3A_278 = arith.constant 0 : i32
    %dma_wait3A_279 = arith.constant 0 : i32
    %dma_wait3A_280 = arith.constant 0 : i32
    %dma_wait3A_281 = arith.constant 0 : i32
    %dma_wait3A_282 = tpu.memref_slice %arg6[%dma_wait3A_278, %dma_wait3A_280, %dma_wait3A_281] : memref<6x128x128xf32, #tpu.memory_space<vmem>> -> memref<1x128x128xf32, #tpu.memory_space<vmem>>
    %dma_wait3A_283 = tpu.memref_squeeze %dma_wait3A_282 : memref<1x128x128xf32, #tpu.memory_space<vmem>> -> memref<128x128xf32, #tpu.memory_space<vmem>>
    %dma_wait3A_284 = arith.constant 0 : i32
    %dma_wait3A_285 = tpu.memref_slice %arg4[%dma_wait3A_279, %mul3A_2, %dma_wait3A_284] : memref<50x4096x128xf32, #tpu.memory_space<hbm>> -> memref<1x128x128xf32, #tpu.memory_space<hbm>>
    %dma_wait3A_286 = tpu.memref_squeeze %dma_wait3A_285 : memref<1x128x128xf32, #tpu.memory_space<hbm>> -> memref<128x128xf32, #tpu.memory_space<hbm>>
    %dma_wait3A_287 = arith.constant 0 : i32
    %dma_wait3A_288 = tpu.memref_slice %arg4[%dma_wait3A_279, %mul3A_2, %dma_wait3A_287] : memref<50x4096x128xf32, #tpu.memory_space<hbm>> -> memref<1x128x128xf32, #tpu.memory_space<hbm>>
    %dma_wait3A_289 = tpu.memref_squeeze %dma_wait3A_288 : memref<1x128x128xf32, #tpu.memory_space<hbm>> -> memref<128x128xf32, #tpu.memory_space<hbm>>
    %dma_wait3A_290 = arith.constant 0 : i32
    %dma_wait3A_291 = arith.constant 0 : i32
    %dma_wait3A_292 = tpu.memref_slice %arg6[%dma_wait3A_278, %dma_wait3A_290, %dma_wait3A_291] : memref<6x128x128xf32, #tpu.memory_space<vmem>> -> memref<1x128x128xf32, #tpu.memory_space<vmem>>
    %dma_wait3A_293 = tpu.memref_squeeze %dma_wait3A_292 : memref<1x128x128xf32, #tpu.memory_space<vmem>> -> memref<128x128xf32, #tpu.memory_space<vmem>>
    tpu.wait_dma2 semaphore(%arg8 : memref<!tpu.dma_semaphore, #tpu.memory_space<semaphore_mem>>) src(%dma_wait3A_293 : memref<128x128xf32, #tpu.memory_space<vmem>>) dst(%dma_wait3A_289 : memref<128x128xf32, #tpu.memory_space<hbm>>)
    %dma_wait3A_294 = arith.constant 0 : i32
    %dma_wait3A_295 = arith.constant 0 : i32
    %dma_wait3A_296 = arith.constant 0 : i32
    %dma_wait3A_297 = arith.constant 0 : i32
    %dma_wait3A_298 = tpu.memref_slice %arg6[%dma_wait3A_294, %dma_wait3A_296, %dma_wait3A_297] : memref<6x128x128xf32, #tpu.memory_space<vmem>> -> memref<1x128x128xf32, #tpu.memory_space<vmem>>
    %dma_wait3A_299 = tpu.memref_squeeze %dma_wait3A_298 : memref<1x128x128xf32, #tpu.memory_space<vmem>> -> memref<128x128xf32, #tpu.memory_space<vmem>>
    %dma_wait3A_300 = arith.constant 0 : i32
    %dma_wait3A_301 = tpu.memref_slice %arg4[%dma_wait3A_295, %mul3A_2, %dma_wait3A_300] : memref<50x4096x128xf32, #tpu.memory_space<hbm>> -> memref<1x128x128xf32, #tpu.memory_space<hbm>>
    %dma_wait3A_302 = tpu.memref_squeeze %dma_wait3A_301 : memref<1x128x128xf32, #tpu.memory_space<hbm>> -> memref<128x128xf32, #tpu.memory_space<hbm>>
    %dma_wait3A_303 = arith.constant 0 : i32
    %dma_wait3A_304 = tpu.memref_slice %arg4[%dma_wait3A_295, %mul3A_2, %dma_wait3A_303] : memref<50x4096x128xf32, #tpu.memory_space<hbm>> -> memref<1x128x128xf32, #tpu.memory_space<hbm>>
    %dma_wait3A_305 = tpu.memref_squeeze %dma_wait3A_304 : memref<1x128x128xf32, #tpu.memory_space<hbm>> -> memref<128x128xf32, #tpu.memory_space<hbm>>
    %dma_wait3A_306 = arith.constant 0 : i32
    %dma_wait3A_307 = arith.constant 0 : i32
    %dma_wait3A_308 = tpu.memref_slice %arg6[%dma_wait3A_294, %dma_wait3A_306, %dma_wait3A_307] : memref<6x128x128xf32, #tpu.memory_space<vmem>> -> memref<1x128x128xf32, #tpu.memory_space<vmem>>
    %dma_wait3A_309 = tpu.memref_squeeze %dma_wait3A_308 : memref<1x128x128xf32, #tpu.memory_space<vmem>> -> memref<128x128xf32, #tpu.memory_space<vmem>>
    tpu.wait_dma2 semaphore(%arg8 : memref<!tpu.dma_semaphore, #tpu.memory_space<semaphore_mem>>) src(%dma_wait3A_309 : memref<128x128xf32, #tpu.memory_space<vmem>>) dst(%dma_wait3A_305 : memref<128x128xf32, #tpu.memory_space<hbm>>)
    %dma_wait3A_310 = arith.constant 0 : i32
    %dma_wait3A_311 = arith.constant 0 : i32
    %dma_wait3A_312 = arith.constant 0 : i32
    %dma_wait3A_313 = arith.constant 0 : i32
    %dma_wait3A_314 = tpu.memref_slice %arg6[%dma_wait3A_310, %dma_wait3A_312, %dma_wait3A_313] : memref<6x128x128xf32, #tpu.memory_space<vmem>> -> memref<1x128x128xf32, #tpu.memory_space<vmem>>
    %dma_wait3A_315 = tpu.memref_squeeze %dma_wait3A_314 : memref<1x128x128xf32, #tpu.memory_space<vmem>> -> memref<128x128xf32, #tpu.memory_space<vmem>>
    %dma_wait3A_316 = arith.constant 0 : i32
    %dma_wait3A_317 = tpu.memref_slice %arg4[%dma_wait3A_311, %mul3A_2, %dma_wait3A_316] : memref<50x4096x128xf32, #tpu.memory_space<hbm>> -> memref<1x128x128xf32, #tpu.memory_space<hbm>>
    %dma_wait3A_318 = tpu.memref_squeeze %dma_wait3A_317 : memref<1x128x128xf32, #tpu.memory_space<hbm>> -> memref<128x128xf32, #tpu.memory_space<hbm>>
    %dma_wait3A_319 = arith.constant 0 : i32
    %dma_wait3A_320 = tpu.memref_slice %arg4[%dma_wait3A_311, %mul3A_2, %dma_wait3A_319] : memref<50x4096x128xf32, #tpu.memory_space<hbm>> -> memref<1x128x128xf32, #tpu.memory_space<hbm>>
    %dma_wait3A_321 = tpu.memref_squeeze %dma_wait3A_320 : memref<1x128x128xf32, #tpu.memory_space<hbm>> -> memref<128x128xf32, #tpu.memory_space<hbm>>
    %dma_wait3A_322 = arith.constant 0 : i32
    %dma_wait3A_323 = arith.constant 0 : i32
    %dma_wait3A_324 = tpu.memref_slice %arg6[%dma_wait3A_310, %dma_wait3A_322, %dma_wait3A_323] : memref<6x128x128xf32, #tpu.memory_space<vmem>> -> memref<1x128x128xf32, #tpu.memory_space<vmem>>
    %dma_wait3A_325 = tpu.memref_squeeze %dma_wait3A_324 : memref<1x128x128xf32, #tpu.memory_space<vmem>> -> memref<128x128xf32, #tpu.memory_space<vmem>>
    tpu.wait_dma2 semaphore(%arg8 : memref<!tpu.dma_semaphore, #tpu.memory_space<semaphore_mem>>) src(%dma_wait3A_325 : memref<128x128xf32, #tpu.memory_space<vmem>>) dst(%dma_wait3A_321 : memref<128x128xf32, #tpu.memory_space<hbm>>)
    %dma_wait3A_326 = arith.constant 0 : i32
    %dma_wait3A_327 = arith.constant 0 : i32
    %dma_wait3A_328 = arith.constant 0 : i32
    %dma_wait3A_329 = arith.constant 0 : i32
    %dma_wait3A_330 = tpu.memref_slice %arg6[%dma_wait3A_326, %dma_wait3A_328, %dma_wait3A_329] : memref<6x128x128xf32, #tpu.memory_space<vmem>> -> memref<1x128x128xf32, #tpu.memory_space<vmem>>
    %dma_wait3A_331 = tpu.memref_squeeze %dma_wait3A_330 : memref<1x128x128xf32, #tpu.memory_space<vmem>> -> memref<128x128xf32, #tpu.memory_space<vmem>>
    %dma_wait3A_332 = arith.constant 0 : i32
    %dma_wait3A_333 = tpu.memref_slice %arg4[%dma_wait3A_327, %mul3A_2, %dma_wait3A_332] : memref<50x4096x128xf32, #tpu.memory_space<hbm>> -> memref<1x128x128xf32, #tpu.memory_space<hbm>>
    %dma_wait3A_334 = tpu.memref_squeeze %dma_wait3A_333 : memref<1x128x128xf32, #tpu.memory_space<hbm>> -> memref<128x128xf32, #tpu.memory_space<hbm>>
    %dma_wait3A_335 = arith.constant 0 : i32
    %dma_wait3A_336 = tpu.memref_slice %arg4[%dma_wait3A_327, %mul3A_2, %dma_wait3A_335] : memref<50x4096x128xf32, #tpu.memory_space<hbm>> -> memref<1x128x128xf32, #tpu.memory_space<hbm>>
    %dma_wait3A_337 = tpu.memref_squeeze %dma_wait3A_336 : memref<1x128x128xf32, #tpu.memory_space<hbm>> -> memref<128x128xf32, #tpu.memory_space<hbm>>
    %dma_wait3A_338 = arith.constant 0 : i32
    %dma_wait3A_339 = arith.constant 0 : i32
    %dma_wait3A_340 = tpu.memref_slice %arg6[%dma_wait3A_326, %dma_wait3A_338, %dma_wait3A_339] : memref<6x128x128xf32, #tpu.memory_space<vmem>> -> memref<1x128x128xf32, #tpu.memory_space<vmem>>
    %dma_wait3A_341 = tpu.memref_squeeze %dma_wait3A_340 : memref<1x128x128xf32, #tpu.memory_space<vmem>> -> memref<128x128xf32, #tpu.memory_space<vmem>>
    tpu.wait_dma2 semaphore(%arg8 : memref<!tpu.dma_semaphore, #tpu.memory_space<semaphore_mem>>) src(%dma_wait3A_341 : memref<128x128xf32, #tpu.memory_space<vmem>>) dst(%dma_wait3A_337 : memref<128x128xf32, #tpu.memory_space<hbm>>)
    return
  }
}

</mosaic_0001>

<sc_bundles>
// kernel: kernel.3.cloned.1.call-start
scs
__scs_entry_jumppad:
0x0: {  	(pc) =	sbr.rel $0x88, $3  }
0x1: {  	(tag) =	ssettag $0x0;
	lr =	simm.s32 $0x1  }
0x2: {  	[smem:$0x3F9F] =	sst lr;
	_ =	strace $0xD0000000  }
0x3: {  	_ = 	snop  }
0x4: {  	_ = 	snop  }
0x5: {  	_ = 	snop  }
0x6: {  	_ = 	snop  }
0x7: {  	_ = 	snop  }
__scs_overlays_trampoline_lowered:
0x8: {  	[smem:$0x3FAE] =	sst s0  }
0x9: {  	[smem:$0x3FAF] =	sst s1  }
0xa: {  	[smem:$0x3FB0] =	sst s2  }
0xb: {  	[smem:$0x3FB1] =	sst s3  }
0xc: {  	[smem:$0x3FB2] =	sst s4  }
0xd: {  	[smem:$0x3FB3] =	sst s5  }
0xe: {  	[smem:$0x3FB4] =	sst s6  }
0xf: {  	[smem:$0x3FB5] =	sst s7  }
0x10: {  	[smem:$0x3FB6] =	sst s8  }
0x11: {  	[smem:$0x3FB7] =	sst s9;
	s0 =	simm.s32 @!p0 $0x0  }
0x12: {  	s1 =	sld [smem:$0x3F9D];
	s0 =	simm.s32 @p0 $0x1  }
0x13: {  	[smem:$0x3FB8] =	sst s0;
	s0 =	simm.s32 @!p1 $0x0  }
0x14: {  	s2 =	sld [smem:$0x3F9C];
	s0 =	simm.s32 @p1 $0x1  }
0x15: {  	[smem:$0x3FB9] =	sst s0;
	s0 =	simm.s32 @!p2 $0x0  }
0x16: {  	s3 =	sld [smem:$0x3FDB];
	s0 =	simm.s32 @p2 $0x1  }
0x17: {  	s4 =	simm.s32 $0x1BF5;
	[smem:$0x3FBB] =	sst s0  }
0x18: {  	s0 =	sld [smem:$0x3F9E];
	_ =	swait.ge [sflag:s4], $0x0  }
0x19: {  	s7 =	sld [smem:$0x3F9F]  }
0x1a: {  	s8 =	sadd.s32 $0xFFFFE003, lr  }
0x1b: {  	s9 =	sadd.s32 $0xFFFFFEF7, lr;
	s5 =	simm.s32 $0xFFFFFFFF;
	p2 =	slt.u32 s8, $0xFFFFF086  }
0x1c: {  	p1 =	slt.u32 s9, $0xF7A;
	s5 =	simm.s32 @!p2 $0x0  }
0x1d: {  	s5 =	simm.s32 @p1 $0x1;
	p0 =	seq.s32 s7, s2  }
0x1e: {  	s7 =	smul.u32 @!p0 $0xF7A, s2;
	p2 =	seq.s32 @!p0 s5, $0x0  }
0x1f: {  	s9 =	smul.u32 $0xF7A, s1;
	s8 =	simm.s32 @!p0 $0x1BF5;
	p2 =	por !p2, p0  }
0x20: {  	[sflag:s8] =	ssyncset.s32 @!p0 $0xFFFFF086;
	s6 =	sadd.s32 @!p0 s3, s7;
	s7 =	simm.s32 @!p0 $0x108  }
0x21: {  	s3 =	sadd.s32 s3, s9;
	s6 =	sadd.s32 @!p0 $0x88, s6;
	s7 =	simm.s32 @p2 $0x1082  }
0x22: {  	[simem:s7], [sflag:s8] =	dma.local @!p0 [hbm:s6], $0xF7A  }
0x23: {  	s9 =	sor.u32 $0xD0000000, s2;
	s6 =	simm.s32 $0x108;
	_ =	swait.ge @!p0 [sflag:s8], $0x0  }
0x24: {  	s3 =	sadd.s32 $0x88, s3;
	s6 =	simm.s32 @!p1 $0x1082;
	[sflag:s4] =	ssyncset.s32 $0xFFFFF086  }
0x25: {  	[simem:s6], [sflag:s4] =	dma.local [hbm:s3], $0xF7A  }
0x26: {  	[smem:$0x3F9F] =	sst s1;
	(tag) =	ssettag s2;
	_ =	strace s9  }
0x27: {  	s1 =	sld [smem:$0x3FAF]  }
0x28: {  	s2 =	sld [smem:$0x3FB0]  }
0x29: {  	s4 =	sld [smem:$0x3FB2]  }
0x2a: {  	p0 =	seq.s32 s5, $0x0;
	s5 =	sld [smem:$0x3FB3]  }
0x2b: {  	s6 =	sld [smem:$0x3FB4]  }
0x2c: {  	s7 =	sld [smem:$0x3FB5]  }
0x2d: {  	s3 =	simm.s32 $0x108;
	s8 =	sld [smem:$0x3FB6]  }
0x2e: {  	s3 =	simm.s32 @!p0 $0x1082;
	s9 =	sld [smem:$0x3FB7]  }
0x2f: {  	lr =	sadd.s32 s0, s3;
	s0 =	sld [smem:$0x3FAE]  }
0x30: {  	s3 =	sld [smem:$0x3FB1]  }
0x31: {  	[smem:$0x3FBA] =	sst s10  }
0x32: {  	s10 =	sld [smem:$0x3FB8];
	_ =	sdelay $0x3  }
0x33: {  	p0 =	seq.s32 s10, $0x1;
	s10 =	sld [smem:$0x3FBA];
	_ =	sdelay $0x3  }
0x34: {  	[smem:$0x3FBA] =	sst s10  }
0x35: {  	s10 =	sld [smem:$0x3FB9];
	_ =	sdelay $0x3  }
0x36: {  	p1 =	seq.s32 s10, $0x1;
	s10 =	sld [smem:$0x3FBA];
	_ =	sdelay $0x3  }
0x37: {  	[smem:$0x3FBA] =	sst s10  }
0x38: {  	s10 =	sld [smem:$0x3FBB]  }
0x39: {  	_ = 	snop;
	(pc) =	sbr.ind lr, $3  }
0x3a: {  	_ = 	snop  }
0x3b: {  	_ = 	snop  }
0x3c: {  	p2 =	seq.s32 s10, $0x1;
	s10 =	sld [smem:$0x3FBA]  }
0x3d: {  	_ =	shalt  }
0x3e: {  	_ =	shalt  }
0x3f: {  	_ =	shalt  }
0x40: {  	_ =	shalt  }
0x41: {  	_ =	shalt  }
0x42: {  	_ =	shalt  }
0x43: {  	_ =	shalt  }
0x44: {  	_ =	shalt  }
0x45: {  	_ =	shalt  }
0x46: {  	_ =	shalt  }
0x47: {  	_ =	shalt  }
0x48: {  	_ =	shalt  }
0x49: {  	_ =	shalt  }
0x4a: {  	_ =	shalt  }
0x4b: {  	_ =	shalt  }
0x4c: {  	_ =	shalt  }
0x4d: {  	_ =	shalt  }
0x4e: {  	_ =	shalt  }
0x4f: {  	_ =	shalt  }
0x50: {  	_ =	shalt  }
0x51: {  	_ =	shalt  }
0x52: {  	_ =	shalt  }
0x53: {  	_ =	shalt  }
0x54: {  	_ =	shalt  }
0x55: {  	_ =	shalt  }
0x56: {  	_ =	shalt  }
0x57: {  	_ =	shalt  }
0x58: {  	_ =	shalt  }
0x59: {  	_ =	shalt  }
0x5a: {  	_ =	shalt  }
0x5b: {  	_ =	shalt  }
0x5c: {  	_ =	shalt  }
0x5d: {  	_ =	shalt  }
0x5e: {  	_ =	shalt  }
0x5f: {  	_ =	shalt  }
0x60: {  	_ =	shalt  }
0x61: {  	_ =	shalt  }
0x62: {  	_ =	shalt  }
0x63: {  	_ =	shalt  }
0x64: {  	_ =	shalt  }
0x65: {  	_ =	shalt  }
0x66: {  	_ =	shalt  }
0x67: {  	_ =	shalt  }
0x68: {  	_ =	shalt  }
0x69: {  	_ =	shalt  }
0x6a: {  	_ =	shalt  }
0x6b: {  	_ =	shalt  }
0x6c: {  	_ =	shalt  }
0x6d: {  	_ =	shalt  }
0x6e: {  	_ =	shalt  }
0x6f: {  	_ =	shalt  }
0x70: {  	_ =	shalt  }
0x71: {  	_ =	shalt  }
0x72: {  	_ =	shalt  }
0x73: {  	_ =	shalt  }
0x74: {  	_ =	shalt  }
0x75: {  	_ =	shalt  }
0x76: {  	_ =	shalt  }
0x77: {  	_ =	shalt  }
0x78: {  	_ =	shalt  }
0x79: {  	_ =	shalt  }
0x7a: {  	_ =	shalt  }
0x7b: {  	_ =	shalt  }
0x7c: {  	_ =	shalt  }
0x7d: {  	_ =	shalt  }
0x7e: {  	_ =	shalt  }
0x7f: {  	_ =	shalt  }
0x80: {  	_ =	shalt  }
0x81: {  	_ =	shalt  }
0x82: {  	_ =	shalt  }
0x83: {  	_ =	shalt  }
0x84: {  	_ =	shalt  }
0x85: {  	_ =	shalt  }
0x86: {  	_ =	shalt  }
0x87: {  	_ =	shalt  }
.Lfunc_end0:
.L_simem_size_0:
called_computation_lowered:
.L_overlay_start_0:
0x88: {  	s2 =	sld [smem:$0x3FD9]  }
0x89: {  	s3 =	sld [smem:$0x3FFE];
	_ =	sdelay $0x1  }
0x8a: {  	s1 =	srdreg.scid  }
0x8b: {  	s0 =	sand.u32 $0x1, s1  }
0x8c: {  	s17 =	sshll.u32 s0, $0xA;
	s2 =	sadd.s32 s3, s2  }
0x8d: {  	s2 =	sadd.s32 s2, s17  }
0x8e: {  	[smem:$0x3FC6] =	sst s2  }
0x8f: {  	_ = 	snop  }
0x90: {  	s2 =	sld [smem:$0x3FC8]  }
0x91: {  	s18 =	sld [smem:$0x3FD0];
	(tm) =	ssettm $0x1  }
0x92: {  	s4 =	sld [smem:$0x3FFB];
	_ =	sdelay $0x3  }
0x93: {  	_ =	strace s4  }
0x94: {  	s4 =	sld [smem:$0x3FFC];
	_ =	sdelay $0x3  }
0x95: {  	_ =	strace s4  }
0x96: {  	s4 =	sld [smem:$0x3FFD];
	_ =	sdelay $0x3  }
0x97: {  	_ =	strace s4  }
0x98: {  	_ =	strace $0x8FFFFFFF  }
0x99: {  	s19 =	sld [smem:$0x3FDB];
	_ =	sdelay $0x1  }
0x9a: {  	s5 =	simm.s32 $_scs_section_size  }
0x9b: {  	s6 =	simm.s32 $_size__tile_overlayer_lowered;
	s7 =	simm.s32 $_tile_overlayer_lowered  }
0x9c: {  	s22 =	simm.s32 $0x1BFF;
	s21 =	sshll.u32 s7, $0x1;
	s4 =	sadd.s32 s5, s19  }
0x9d: {  	s8 =	simm.s32 $0x0;
	s20 =	sshll.u32 s6, $0x1;
	s6 =	sadd.s32 s21, s4  }
0x9e: {  	[timem:s8], [sflag:s22] =	dma.local [hbm:s6], s20  }
0x9f: {  	_ =	swait.ge [sflag:s22], s20  }
0xa0: {  	s5 =	ssub.s32 $0x0, s20;
	[sflag:s22] =	ssyncset.done $0x0  }
0xa1: {  	[sflag:s22] =	ssyncadd.s32 s5;
	_ =	sdelay $0x1  }
0xa2: {  	s23 =	simm.s32 $0x1B8B  }
0xa3: {  	_ =	swait.ge [sflag:s23], $0x1  }
0xa4: {  	[sflag:s23] =	ssyncset.done $0x0  }
0xa5: {  	s25 =	simm.s32 $0x1B8E;
	s24 =	sld [smem:$0x3FFE];
	[sflag:s23] =	ssyncadd.s32 $0xFFFFFFFF  }
0xa6: {  	s26 =	simm.s32 $execute0_lowered;
	[smem:$0x3FD2] =	sst s25  }
0xa7: {  	s6 =	sshll.u32 s26, $0x1;
	_ =	strace $0x80000046;
	[dreg:$0x1] =	wrdreg $0xFFFFFFFF  }
0xa8: {  	s28 =	simm.s32 $_size_execute0_lowered;
	s4 =	sadd.s32 s4, s6;
	[dreg:$0x0] =	wrdreg $0x0  }
0xa9: {  	s6 =	sshll.u32 s28, $0x1;
	[dreg:$0x2] =	wrdreg s4  }
0xaa: {  	[dreg:$0x3] =	wrdreg s6  }
0xab: {  	[dreg:$0x4] =	wrdreg $0xC0  }
0xac: {  	_ =	task [dreg:s8], $0x5FFFF  }
0xad: {  	[dreg:$0x1] =	wrdreg $0xFFFFFFFF  }
0xae: {  	[dreg:$0x0] =	wrdreg $0x60  }
0xaf: {  	[dreg:$0x2] =	wrdreg s24  }
0xb0: {  	[dreg:$0x3] =	wrdreg s2  }
0xb1: {  	[dreg:$0x4] =	wrdreg s18  }
0xb2: {  	[dreg:$0x5] =	wrdreg $0x9  }
0xb3: {  	_ =	task.clear_ibuf [dreg:s8], $0x6FFFF;
	_ =	strace $0x90000046  }
0xb4: {  	s29 =	simm.s32 $0x9;
	_ =	strace $0x80000048  }
0xb5: {  	_ =	swait.ge [sflag:s29], $0x1  }
0xb6: {  	[sflag:s29] =	ssyncadd.s32 $0xFFFFFFFF  }
0xb7: {  	_ =	strace $0x90000048  }
0xb8: {  	_ =	sfence  }
0xb9: {  	s30 =	sld [smem:$0x0];
	_ =	sdelay $0x2  }
0xba: {  	s31 =	sshll.u32 s1, $0xD;
	s1 =	sshrl.u32 s1, $0x2  }
0xbb: {  	s3 =	sand.u32 $0x4000, s31;
	s1 =	sadd.s32 s1, s30  }
0xbc: {  	s0 =	sor.u32 s3, s0;
	s1 =	sshll.u32 s1, $0x11  }
0xbd: {  	s0 =	sor.u32 s1, s0  }
0xbe: {  	s0 =	sadd.s32 $0x8F2B, s0  }
0xbf: {  	[sflag:s0] =	ssyncadd.remote.s32 $0x1  }
0xc0: {  	_ =	sfence.sel $0xFFFF  }
0xc1: {  	[dreg:$0x0] =	wrdreg $0xFFFFFFFF;
	(pc) =	sbr.abs _section_cstart, $3  }
0xc2: {  	[dreg:$0x1] =	wrdreg $0xFFFFFFFF  }
0xc3: {  	_ =	task.clear_ibuf [dreg:s8], $0x2FFFF;
	_ =	strace $0x9FFFFFFF  }
0xc4: {  	(tm) =	ssettm $0x7FFFFFFF  }
0xc5: {  	_ =	shalt  }
tec
execute0_lowered:
.L_overlay_start_1:
0x0: {  	(tag) =	ssettag $0x1  }
0x1: {  	s0 =	rddreg [dreg:$0x0]  }
0x2: {  	s2 =	rddreg [dreg:$0x1]  }
0x3: {  	s1 =	rddreg [dreg:$0x2];
	s4 =	srdreg.scid  }
0x4: {  	s8 =	stileid.u32;
	s3 =	simm.s32 $0x0;
	s13 =	simm.s32 $0x80  }
0x5: {  	s15 =	simm.s32 $0x3;
	s16 =	simm.s32 $0x1C00;
	s17 =	simm.s32 $0x5C00  }
0x6: {  	s19 =	simm.s32 $0x9C00;
	s20 =	simm.s32 $0x1;
	s28 =	simm.s32 $0x2  }
0x7: {  	s29 =	simm.s32 $0x0;
	s9 =	sand.u32 $0x1, s4;
	s25 =	sshll.u32 s8, $0x1  }
0x8: {  	[smem:$0x7FF] =	sst s3;
	s30 =	sshll.u32 s8, $0xC;
	s4 =	sor.u32 s9, s25  }
0x9: {  	_ =	strace $0x80000047;
	s6 =	ssub.s32 $0x2, s9;
	s31 =	sshll.u32 s9, $0xB  }
0xa: {  	s25 =	simm.s32 $0x280;
	s5 =	sshll.u32 s4, $0x4;
	s26 =	sshrl.u32 s6, $0x1  }
0xb: {  	s7 =	sshll.u32 s4, $0xB;
	s0 =	sadd.s32 s5, s0;
	s11 =	ssub.s32 s6, s26  }
0xc: {  	s5 =	sadd.s32 s1, s7;
	s26 =	simm.s32 $0x15C00;
	s4 =	sadd.s32 $0x400, s0  }
0xd: {  	s6 =	sadd.s32 $0x10000, s5;
	s7 =	sadd.s32 $0x20000, s5;
	s0 =	sadd.s32 s30, s1  }
0xe: {  	s8 =	sadd.s32 $0x2F0000, s5;
	s9 =	sadd.s32 $0x300000, s5;
	s0 =	sadd.s32 s31, s0  }
0xf: {  	s10 =	sadd.s32 $0x310000, s5;
	s11 =	smax.u32 s11, $0x1;
	s12 =	sadd.s32 $0x30000, s0  }
.LBB2_1:
0x10: {  	s0 =	simm.s32 $0x1000  }
0x11: {  	[tilespmem:s3], [sflag:$0x3] =	stream.strided.gather [hbm4b:s4+s13], $0x1900, s0, s13, $0x38;
	[tilespmem:$0x19C00] =	vst v63  }
0x12: {  	_ =	swait.ge [sflag:s15], $0x1900  }
0x13: {  	[sflag:s15] =	ssyncset.done $0x0  }
0x14: {  	[sflag:s15] =	ssyncadd.s32 $0xFFFFE700  }
0x15: {  	[tilespmem:s16], [sflag:$0x1] =	stream.indirect.gather [hbm4b:s2+s13], $0x80, s3, s13, $0xb8;
	[tilespmem:$0x19C00] =	vst v63  }
0x16: {  	_ = 	snop  }
0x17: {  	[tilespmem:s17], [sflag:$0x1] =	stream.indirect.gather [hbm4b:s2+s13], $0x80, s13, s13, $0xb8;
	[tilespmem:$0x19C00] =	vst v63  }
0x18: {  	s14 =	simm.s32 $0x100  }
0x19: {  	[tilespmem:s19], [sflag:$0x1] =	stream.indirect.gather [hbm4b:s2+s13], $0x80, s14, s13, $0xb8;
	[tilespmem:$0x19C00] =	vst v63  }
0x1a: {  	_ =	swait.ge [sflag:s20], $0x4000  }
0x1b: {  	[sflag:s20] =	ssyncset.done $0x0  }
0x1c: {  	s23 =	simm.s32 $0x6;
	[sflag:s20] =	ssyncadd.s32 $0xFFFFC000  }
0x1d: {  	[hbm4b:s5+s3] =	stream.linear.scatter [tilespmem:s16], [sflag:$0x2], $0x4000, $0x38;
	[tilespmem:$0x19C00] =	vst v63  }
0x1e: {  	s18 =	simm.s32 $0x180;
	s1 =	simm.s32 $0xDC00;
	s0 =	smul.u32 $0xAB, s23  }
0x1f: {  	[tilespmem:s1], [sflag:$0x1] =	stream.indirect.gather [hbm4b:s2+s13], $0x80, s18, s13, $0xb8;
	[tilespmem:$0x19C00] =	vst v63  }
0x20: {  	s21 =	simm.s32 $0x200;
	_ =	swait.ge [sflag:s20], $0x4000  }
0x21: {  	s24 =	sadd.s32 $0xFFFFFDFF, s0;
	s0 =	sshrl.u32 s0, $0xA;
	[sflag:s20] =	ssyncset.done $0x0  }
0x22: {  	s0 =	sand.u32 $0x3F, s0;
	s1 =	sshrl.u32 s24, $0xA;
	[sflag:s20] =	ssyncadd.s32 $0xFFFFC000  }
0x23: {  	[hbm4b:s6+s3] =	stream.linear.scatter [tilespmem:s17], [sflag:$0x2], $0x4000, $0x38;
	[tilespmem:$0x19C00] =	vst v63  }
0x24: {  	s22 =	simm.s32 $0x11C00;
	s0 =	smul.u32 $0x6, s0;
	s1 =	sand.u32 $0x3F, s1  }
0x25: {  	[tilespmem:s22], [sflag:$0x1] =	stream.indirect.gather [hbm4b:s2+s13], $0x80, s21, s13, $0xb8;
	[tilespmem:$0x19C00] =	vst v63  }
0x26: {  	s30 =	simm.s32 $0x300;
	s1 =	smul.u32 $0x6, s1;
	_ =	swait.ge [sflag:s20], $0x4000  }
0x27: {  	s31 =	simm.s32 $0x7;
	s0 =	ssub.s32 $0x6, s0;
	[sflag:s20] =	ssyncset.done $0x0  }
0x28: {  	s0 =	sand.u32 $0xFF, s0;
	s1 =	ssub.s32 $0x6, s1;
	[sflag:s20] =	ssyncadd.s32 $0xFFFFC000  }
0x29: {  	[hbm4b:s7+s3] =	stream.linear.scatter [tilespmem:s19], [sflag:$0x2], $0x4000, $0x38;
	[tilespmem:$0x19C00] =	vst v63  }
0x2a: {  	s0 =	sshll.u32 s0, $0xE;
	s14 =	smul.u32 $0xAB, s31;
	s1 =	sadd.s32 $0xFFFFFFFD, s1  }
0x2b: {  	[tilespmem:s26], [sflag:$0x1] =	stream.indirect.gather [hbm4b:s2+s13], $0x80, s25, s13, $0xb8;
	[tilespmem:$0x19C00] =	vst v63  }
0x2c: {  	s18 =	sshrl.u32 s14, $0xA;
	s1 =	sand.u32 $0xFF, s1;
	_ =	swait.ge [sflag:s20], $0x4000  }
0x2d: {  	s14 =	sadd.s32 $0xFFFFFDFF, s14;
	s1 =	sshll.u32 s1, $0xE;
	[sflag:s20] =	ssyncset.done $0x0  }
0x2e: {  	s18 =	sand.u32 $0x3F, s18;
	s1 =	sor.u32 $0x1C00, s1;
	[sflag:s20] =	ssyncadd.s32 $0xFFFFC000  }
0x2f: {  	[hbm4b:s12+s3] =	stream.linear.scatter [tilespmem:s1], [sflag:$0x2], $0x4000, $0x38;
	[tilespmem:$0x19C00] =	vst v63  }
0x30: {  	s18 =	smul.u32 $0x6, s18;
	s21 =	simm.s32 $0x8;
	_ =	swait.ge [sflag:s28], $0x4000  }
0x31: {  	s22 =	sshrl.u32 s14, $0xA;
	s14 =	simm.s32 $0x300;
	[sflag:s28] =	ssyncset.done $0x0  }
0x32: {  	s1 =	sor.u32 $0x1C00, s0;
	s0 =	sadd.s32 $0x10000, s12;
	[sflag:s28] =	ssyncadd.s32 $0xFFFFC000  }
.LBB2_2:
0x33: {  	s22 =	sand.u32 $0x3F, s22  }
0x34: {  	s30 =	sadd.s32 $0x80, s30;
	s23 =	smov.u32 s21;
	s24 =	sadd.s32 $0x1, s21  }
0x35: {  	p0 =	sne.s32 s21, $0x31;
	s21 =	smul.u32 $0x6, s22;
	s18 =	ssub.s32 s31, s18  }
0x36: {  	[tilespmem:s1], [sflag:$0x1] =	stream.indirect.gather [hbm4b:s2+s13], $0x80, s14, s13, $0xb8;
	[tilespmem:$0x19C00] =	vst v63  }
0x37: {  	s14 =	sand.u32 $0xFF, s18;
	s1 =	ssub.s32 s31, s21;
	s31 =	smov.u32 s23  }
0x38: {  	s18 =	sshll.u32 s14, $0xE;
	s14 =	smov.u32 s30;
	s1 =	sadd.s32 $0xFFFFFFFD, s1  }
0x39: {  	_ =	swait.ge [sflag:s20], $0x4000;
	s21 =	sand.u32 $0xFF, s1;
	s1 =	sor.u32 $0x1C00, s18  }
0x3a: {  	s18 =	smul.u32 $0xAB, s31;
	[sflag:s20] =	ssyncset.done $0x0;
	s21 =	sshll.u32 s21, $0xE  }
0x3b: {  	[sflag:s20] =	ssyncadd.s32 $0xFFFFC000;
	s21 =	sor.u32 $0x1C00, s21  }
0x3c: {  	[hbm4b:s0+s3] =	stream.linear.scatter [tilespmem:s21], [sflag:$0x2], $0x4000, $0x38;
	[tilespmem:$0x19C00] =	vst v63  }
.Ltmp0:
0x3d: {  	_ = 	snop;
	(pc) =	sbr.rel @p0 .LBB2_2-.Ltmp0, $4  }
0x3e: {  	s21 =	sshrl.u32 s18, $0xA  }
0x3f: {  	s0 =	sadd.s32 $0x10000, s0;
	s18 =	sadd.s32 $0xFFFFFDFF, s18;
	_ =	swait.ge [sflag:s28], $0x4000  }
0x40: {  	s21 =	sand.u32 $0x3F, s21;
	s22 =	sshrl.u32 s18, $0xA;
	[sflag:s28] =	ssyncset.done $0x0  }
0x41: {  	s18 =	smul.u32 $0x6, s21;
	s21 =	smov.u32 s24;
	[sflag:s28] =	ssyncadd.s32 $0xFFFFC000  }
0x42: {  	s21 =	sand.u32 $0x3F, s22  }
0x43: {  	s21 =	smul.u32 $0x6, s21  }
0x44: {  	[tilespmem:s1], [sflag:$0x1] =	stream.indirect.gather [hbm4b:s2+s13], $0x80, s14, s13, $0xb8;
	[tilespmem:$0x19C00] =	vst v63  }
0x45: {  	s22 =	ssub.s32 s31, s21  }
0x46: {  	s1 =	sadd.s32 $0xFFFFFFFD, s22  }
0x47: {  	_ =	swait.ge [sflag:s20], $0x4000;
	s1 =	sand.u32 $0xFF, s1  }
0x48: {  	[sflag:s20] =	ssyncset.done $0x0;
	s1 =	sshll.u32 s1, $0xE  }
0x49: {  	s23 =	ssub.s32 s31, s18;
	[sflag:s20] =	ssyncadd.s32 $0xFFFFC000;
	s1 =	sor.u32 $0x1C00, s1  }
0x4a: {  	[hbm4b:s0+s3] =	stream.linear.scatter [tilespmem:s1], [sflag:$0x2], $0x4000, $0x38;
	[tilespmem:$0x19C00] =	vst v63  }
0x4b: {  	s24 =	sand.u32 $0xFF, s23;
	_ =	swait.ge [sflag:s28], $0x4000  }
0x4c: {  	s0 =	sshll.u32 s24, $0xE;
	[sflag:s28] =	ssyncset.done $0x0  }
0x4d: {  	s31 =	sadd.s32 $0x80, s30;
	s0 =	sor.u32 $0x1C00, s0;
	[sflag:s28] =	ssyncadd.s32 $0xFFFFC000  }
0x4e: {  	[tilespmem:s0], [sflag:$0x1] =	stream.indirect.gather [hbm4b:s2+s13], $0x80, s31, s13, $0xb8;
	[tilespmem:$0x19C00] =	vst v63  }
0x4f: {  	_ =	swait.ge [sflag:s20], $0x4000  }
0x50: {  	[sflag:s20] =	ssyncset.done $0x0  }
0x51: {  	[sflag:s20] =	ssyncadd.s32 $0xFFFFC000  }
0x52: {  	[hbm4b:s8+s3] =	stream.linear.scatter [tilespmem:s26], [sflag:$0x2], $0x4000, $0x38;
	[tilespmem:$0x19C00] =	vst v63  }
0x53: {  	_ =	swait.ge [sflag:s20], $0x4000  }
0x54: {  	[sflag:s20] =	ssyncset.done $0x0  }
0x55: {  	[sflag:s20] =	ssyncadd.s32 $0xFFFFC000  }
0x56: {  	[hbm4b:s9+s3] =	stream.linear.scatter [tilespmem:s16], [sflag:$0x2], $0x4000, $0x38;
	[tilespmem:$0x19C00] =	vst v63  }
0x57: {  	_ =	swait.ge [sflag:s20], $0x4000  }
0x58: {  	[sflag:s20] =	ssyncset.done $0x0  }
0x59: {  	[sflag:s20] =	ssyncadd.s32 $0xFFFFC000  }
0x5a: {  	[hbm4b:s10+s3] =	stream.linear.scatter [tilespmem:s17], [sflag:$0x2], $0x4000, $0x38;
	[tilespmem:$0x19C00] =	vst v63  }
0x5b: {  	_ =	swait.ge [sflag:s28], $0x4000  }
0x5c: {  	[sflag:s28] =	ssyncset.done $0x0  }
0x5d: {  	[sflag:s28] =	ssyncadd.s32 $0xFFFFC000  }
0x5e: {  	_ =	swait.ge [sflag:s28], $0x4000  }
0x5f: {  	[sflag:s28] =	ssyncset.done $0x0  }
0x60: {  	[sflag:s28] =	ssyncadd.s32 $0xFFFFC000  }
0x61: {  	_ =	swait.ge [sflag:s28], $0x4000  }
0x62: {  	[sflag:s28] =	ssyncset.done $0x0  }
0x63: {  	[sflag:s28] =	ssyncadd.s32 $0xFFFFC000  }
0x64: {  	_ =	swait.ge [sflag:s28], $0x4000  }
0x65: {  	[sflag:s28] =	ssyncset.done $0x0  }
0x66: {  	s29 =	sadd.s32 $0x1, s29;
	[sflag:s28] =	ssyncadd.s32 $0xFFFFC000  }
0x67: {  	p0 =	sne.s32 s29, s11;
	_ =	swait.ge [sflag:s28], $0x4000  }
.Ltmp1:
0x68: {  	[sflag:s28] =	ssyncset.done $0x0;
	(pc) =	sbr.rel @p0 .LBB2_1-.Ltmp1, $4  }
0x69: {  	[sflag:s28] =	ssyncadd.s32 $0xFFFFC000  }
0x6a: {  	_ =	swait.ge [sflag:s28], $0x4000  }
0x6b: {  	[sflag:s28] =	ssyncset.done $0x0  }
0x6c: {  	[sflag:s28] =	ssyncadd.s32 $0xFFFFC000  }
0x6d: {  	_ =	sfence.sel $0x180000  }
0x6e: {  	[bflag:$0x0] =	sbarrier.arrive $0xFFFF  }
0x6f: {  	_ =	strace $0x90000047  }
0x70: {  	s0 =	stileid.u32;
	[bflag:$0x2] =	sbarrier.arrive $0xFFFF  }
0x71: {  	p0 =	sne.s32 s0, $0x0;
	s0 =	rddreg [dreg:$0x3]  }
0x72: {  	s0 =	sadd.s32 @!p0 $0x100000, s0  }
0x73: {  	[sflag:s0] =	ssyncadd.tile.s32 @!p0 $0x1;
	_ =	shalt  }
.Lfunc_end2:
_tile_overlayer_lowered:
.L_overlay_start_2:
0x74: {  	(tag) =	ssettag $0x2  }
0x75: {  	s0 =	rddreg [dreg:$0x0];
	s2 =	stileid.u32  }
0x76: {  	s1 =	rddreg [dreg:$0x1];
	p0 =	sne.s32 s2, $0x0  }
0x77: {  	s3 =	rddreg [dreg:$0x2];
	[bflag:$0x3] =	sbarrier.arrive $0xFFFF;
	s2 =	simm.s32 @!p0 $0x1C03  }
0x78: {  	[timem:s3], [sflag:s2] =	dma.local @!p0 [hbm:s0], s1  }
0x79: {  	s0 =	simm.s32 @!p0 $0x3  }
0x7a: {  	_ =	swait.ge @!p0 [sflag:s0], s1  }
0x7b: {  	s1 =	ssub.s32 @!p0 $0x0, s1;
	[sflag:s0] =	ssyncset.done @!p0 $0x0  }
0x7c: {  	[sflag:s0] =	ssyncadd.s32 @!p0 s1  }
0x7d: {  	[bflag:$0x3] =	sbarrier.arrive $0xFFFF  }
0x7e: {  	_ =	shalt  }

</sc_bundles>
